<compile_context>
chip_gen: v7x
topology: tpu7x:2x2x1
jax: 0.10.2.dev20260603
libtpu: 0.0.44.dev20260713+nightly
codegen_flags: <defaults>
</compile_context>

<pallas_src>
import functools

import jax
import jax.numpy as jnp
from jax import lax
from jax.experimental import pallas as pl
from jax.experimental.pallas import tpu as pltpu
from jax.experimental.pallas import tpu_sc as plsc

N = 10000
NP = 10240
T = 64
H = 128
E = 320000
CH = 128
NCH_W = 80
EPW = NCH_W * CH
EP = 32 * EPW
NCH_T = EP // 16 // CH
STRIPE = NP // 16
SFLAT = NP * T
SSTRIPE = SFLAT // 16

_mesh = plsc.VectorSubcoreMesh(core_axis_name="c", subcore_axis_name="s")
_sc_params = pltpu.CompilerParams(needs_layout_passes=False)


@functools.partial(
    pl.kernel,
    out_type=jax.ShapeDtypeStruct((2, NP), jnp.float32),
    mesh=_mesh,
    compiler_params=_sc_params,
    scratch_types=[
        pltpu.VMEM_SHARED((NP,), jnp.float32),
        pltpu.VMEM((NCH_T, CH), jnp.int32),
        pltpu.VMEM((CH,), jnp.float32),
        pltpu.VMEM((STRIPE,), jnp.float32),
    ],
)
def _deg_kernel(edges_hbm, out_hbm, acc, eidx, ones_v, zeros_v):
    cid = lax.axis_index("c")
    sid = lax.axis_index("s")
    for j in range(CH // 16):
        ones_v[pl.ds(16 * j, 16)] = jnp.full((16,), 1.0, jnp.float32)
    for j in range(STRIPE // 16):
        zeros_v[pl.ds(16 * j, 16)] = jnp.zeros((16,), jnp.float32)
    pltpu.sync_copy(zeros_v, acc.at[pl.ds(sid * STRIPE, STRIPE)])
    pltpu.sync_copy(edges_hbm.at[cid, sid], eidx)
    plsc.subcore_barrier()

    def body(c, carry):
        pltpu.sync_copy(ones_v, acc.at[eidx.at[c]], add=True)
        return carry

    lax.fori_loop(0, NCH_T, body, 0)
    plsc.subcore_barrier()
    pltpu.sync_copy(acc.at[pl.ds(sid * STRIPE, STRIPE)],
                    out_hbm.at[cid, pl.ds(sid * STRIPE, STRIPE)])


@functools.partial(
    pl.kernel,
    out_type=jax.ShapeDtypeStruct((2, SFLAT), jnp.float32),
    mesh=_mesh,
    compiler_params=_sc_params,
    scratch_types=[
        pltpu.VMEM_SHARED((SFLAT,), jnp.float32),
        pltpu.VMEM((NP,), jnp.int32),
        pltpu.VMEM((NP,), jnp.float32),
        pltpu.VMEM((EPW,), jnp.int32),
        pltpu.VMEM((EPW,), jnp.int32),
        pltpu.VMEM((NCH_W, CH), jnp.int32),
        pltpu.VMEM((EPW,), jnp.float32),
    ],
)
def _hist_kernel(src_hbm, dst_hbm, nf_hbm, onorm_hbm, z_hbm, out_hbm,
                 s_acc, t_v, w_v, src_v, dst_v, idx_v, val_v):
    cid = lax.axis_index("c")
    sid = lax.axis_index("s")
    wid = cid * 16 + sid
    pltpu.sync_copy(z_hbm, s_acc.at[pl.ds(sid * SSTRIPE, SSTRIPE)])
    pltpu.sync_copy(nf_hbm, t_v)
    pltpu.sync_copy(onorm_hbm, w_v)
    pltpu.sync_copy(src_hbm.at[wid], src_v)
    pltpu.sync_copy(dst_hbm.at[wid], dst_v)
    plsc.subcore_barrier()

    def body(c, carry):
        for j in range(CH // 16):
            s16 = src_v[pl.ds(c * CH + j * 16, 16)]
            d16 = dst_v[pl.ds(c * CH + j * 16, 16)]
            t16 = plsc.load_gather(t_v, [s16])
            w16 = plsc.load_gather(w_v, [s16])
            idx_v[c, pl.ds(j * 16, 16)] = d16 * T + t16
            val_v[pl.ds(c * CH + j * 16, 16)] = w16
        pltpu.sync_copy(val_v.at[pl.ds(c * CH, CH)],
                        s_acc.at[idx_v.at[c]], add=True)
        return carry

    lax.fori_loop(0, NCH_W, body, 0)
    plsc.subcore_barrier()
    pltpu.sync_copy(s_acc.at[pl.ds(sid * SSTRIPE, SSTRIPE)],
                    out_hbm.at[cid, pl.ds(sid * SSTRIPE, SSTRIPE)])


WCH = 40


@functools.partial(
    pl.kernel,
    out_type=jax.ShapeDtypeStruct((2, NP, H), jnp.float32),
    mesh=_mesh,
    compiler_params=_sc_params,
    scratch_types=[
        pltpu.VMEM_SHARED((NP, H), jnp.float32),
        pltpu.VMEM((WCH, CH), jnp.int32),
        pltpu.VMEM((WCH, CH), jnp.int32),
        pltpu.VMEM((CH, H), jnp.float32),
        pltpu.VMEM((CH, H), jnp.float32),
        pltpu.SemaphoreType.DMA,
        pltpu.SemaphoreType.DMA,
    ],
)
def _agg_kernel(src_hbm, dst_hbm, h1s_hbm, z_hbm, out_hbm,
                agc, src_v, dst_v, rows_a, rows_b, sem_a, sem_b):
    cid = lax.axis_index("c")
    sid = lax.axis_index("s")
    wid = cid * 16 + sid
    pltpu.sync_copy(z_hbm, agc.at[pl.ds(sid * STRIPE, STRIPE)])
    plsc.subcore_barrier()

    @pl.loop(0, 2)
    def _win(w):
        pltpu.sync_copy(src_hbm.at[wid, pl.ds(w * WCH, WCH)], src_v)
        pltpu.sync_copy(dst_hbm.at[wid, pl.ds(w * WCH, WCH)], dst_v)
        pltpu.async_copy(h1s_hbm.at[src_v.at[0]], rows_a, sem_a)

        @pl.loop(0, WCH - 2, step=2)
        def _pair(c):
            pltpu.async_copy(h1s_hbm.at[src_v.at[c + 1]], rows_b, sem_b)
            pltpu.make_async_copy(
                h1s_hbm.at[src_v.at[c]], rows_a, sem_a).wait()
            pltpu.sync_copy(rows_a, agc.at[dst_v.at[c]], add=True)
            pltpu.async_copy(h1s_hbm.at[src_v.at[c + 2]], rows_a, sem_a)
            pltpu.make_async_copy(
                h1s_hbm.at[src_v.at[c + 1]], rows_b, sem_b).wait()
            pltpu.sync_copy(rows_b, agc.at[dst_v.at[c + 1]], add=True)

        pltpu.async_copy(h1s_hbm.at[src_v.at[WCH - 1]], rows_b, sem_b)
        pltpu.make_async_copy(
            h1s_hbm.at[src_v.at[WCH - 2]], rows_a, sem_a).wait()
        pltpu.sync_copy(rows_a, agc.at[dst_v.at[WCH - 2]], add=True)
        pltpu.make_async_copy(
            h1s_hbm.at[src_v.at[WCH - 1]], rows_b, sem_b).wait()
        pltpu.sync_copy(rows_b, agc.at[dst_v.at[WCH - 1]], add=True)

    plsc.subcore_barrier()
    pltpu.sync_copy(agc.at[pl.ds(sid * STRIPE, STRIPE)],
                    out_hbm.at[cid, pl.ds(sid * STRIPE, STRIPE)])


def _norm_body(deg_ref, out_ref):
    out_ref[...] = lax.rsqrt(jnp.maximum(deg_ref[...], 1.0))


_norm = pl.pallas_call(
    _norm_body,
    out_shape=jax.ShapeDtypeStruct((2, NP), jnp.float32),
)


def _tc1_body(s_ref, e_ref, w1_ref, b1_ref, inorm_ref, onorm_ref, h1s_ref):
    s = s_ref[0] + s_ref[1]
    agg = jnp.dot(s, e_ref[...], preferred_element_type=jnp.float32)
    h = agg * inorm_ref[...]
    h = jnp.dot(h, w1_ref[...], preferred_element_type=jnp.float32) + b1_ref[...]
    h = jnp.maximum(h, 0.0)
    h1s_ref[...] = h * onorm_ref[...]


_tc1 = pl.pallas_call(
    _tc1_body,
    out_shape=jax.ShapeDtypeStruct((NP, H), jnp.float32),
)


def _tc2_body(a_ref, w2_ref, b2_ref, inorm_ref, out_ref):
    a = a_ref[0] + a_ref[1]
    h = a * inorm_ref[...]
    h = jnp.dot(h, w2_ref[...], preferred_element_type=jnp.float32) + b2_ref[...]
    h = jnp.maximum(h, 0.0)
    rows = lax.broadcasted_iota(jnp.int32, (NP, 1), 0)
    mask = (rows < N).astype(jnp.float32)
    out_ref[...] = jnp.sum(h * mask, axis=0, keepdims=True) * (1.0 / N)


_tc2 = pl.pallas_call(
    _tc2_body,
    out_shape=jax.ShapeDtypeStruct((1, H), jnp.float32),
)


def kernel(node_feat, edge_index, emb_table, W1, b1, W2, b2):
    src = edge_index[0].astype(jnp.int32)
    dst = edge_index[1].astype(jnp.int32)
    pad_ix = N + (jnp.arange(EP - E, dtype=jnp.int32) % (NP - N))
    src_p = jnp.concatenate([src, pad_ix])
    dst_p = jnp.concatenate([dst, pad_ix])
    nf_p = jnp.pad(node_feat.astype(jnp.int32), (0, NP - N))

    edges_a = jnp.stack([src_p, dst_p]).reshape(2, 16, NCH_T, CH)
    deg = _deg_kernel(edges_a)
    norms = _norm(deg)
    onorm = norms[0]
    inorm = norms[1].reshape(NP, 1)

    src_w = src_p.reshape(32, EPW)
    dst_w = dst_p.reshape(32, EPW)
    zeros_s = jnp.zeros((SSTRIPE,), jnp.float32)
    s_parts = _hist_kernel(src_w, dst_w, nf_p, onorm, zeros_s)
    s_parts = s_parts.reshape(2, NP, T)

    h1s = _tc1(s_parts, emb_table, W1, b1.reshape(1, H), inorm,
               onorm.reshape(NP, 1))

    src_c = src_p.reshape(32, 2 * WCH, CH)
    dst_c = dst_p.reshape(32, 2 * WCH, CH)
    zeros_nd = jnp.zeros((STRIPE, H), jnp.float32)
    agg = _agg_kernel(src_c, dst_c, h1s, zeros_nd)

    return _tc2(agg, W2, b2.reshape(1, H), inorm)

# --- scband reference (transcript-rebuilt; emitter-appended) ---
"""Pipeline reference for scband-shared-gnn-88940182766121 (READ-ONLY COPY).

The authoritative reference and input builder live on the scoring server;
editing this copy changes nothing except your own understanding.
"""

import jax, jax.numpy as jnp
import numpy as np

N_NODES = 10000
N_EDGES = 320000
NUM_NODE_TYPES = 64
HIDDEN = 128


def setup_inputs(seed: int = 0) -> dict:
    key = jax.random.key(seed)
    k1, k2, k3, k4, k5, k6, k7 = jax.random.split(key, 7)
    node_feat = jax.random.randint(k1, (N_NODES,), 0, NUM_NODE_TYPES, dtype=jnp.int64 if jax.config.jax_enable_x64 else jnp.int32)
    edge_index = jax.random.randint(k2, (2, N_EDGES), 0, N_NODES, dtype=jnp.int64 if jax.config.jax_enable_x64 else jnp.int32)
    emb_table = jax.random.normal(k3, (NUM_NODE_TYPES, HIDDEN), dtype=jnp.float32) * 0.02
    W1 = jax.random.normal(k4, (HIDDEN, HIDDEN), dtype=jnp.float32) * (1.0 / np.sqrt(HIDDEN))
    b1 = jnp.zeros((HIDDEN,), dtype=jnp.float32)
    W2 = jax.random.normal(k5, (HIDDEN, HIDDEN), dtype=jnp.float32) * (1.0 / np.sqrt(HIDDEN))
    b2 = jnp.zeros((HIDDEN,), dtype=jnp.float32)
    return {"node_feat": node_feat, "edge_index": edge_index, "emb_table": emb_table,
            "W1": W1, "b1": b1, "W2": W2, "b2": b2}


def _graph_conv(h, edge_index, W, b):
    # DGL GraphConv with norm='both':
    # h_src * outdeg^{-1/2} -> sum over edges into dst -> * indeg^{-1/2} -> @ W + b
    n = h.shape[0]
    src = edge_index[0]
    dst = edge_index[1]
    ones = jnp.ones((edge_index.shape[1],), dtype=h.dtype)
    out_deg = jnp.zeros((n,), dtype=h.dtype).at[src].add(ones)
    in_deg = jnp.zeros((n,), dtype=h.dtype).at[dst].add(ones)
    out_norm = jnp.where(out_deg > 0, out_deg, 1.0) ** -0.5
    in_norm = jnp.where(in_deg > 0, in_deg, 1.0) ** -0.5
    h_src = h * out_norm[:, None]
    msg = jnp.take(h_src, src, axis=0)
    agg = jnp.zeros_like(h).at[dst].add(msg)
    agg = agg * in_norm[:, None]
    return agg @ W + b


def reference(node_feat, edge_index, emb_table, W1, b1, W2, b2):
    # GraphEmbedding.forward for a single graph (SharedGNN with graphs=[g])
    h = jnp.take(emb_table, node_feat, axis=0)          # node_embedding
    h = _graph_conv(h, edge_index, W1, b1)
    h = jax.nn.relu(h)                                  # dropout is identity at eval
    h = _graph_conv(h, edge_index, W2, b2)
    h = jax.nn.relu(h)
    hg = jnp.mean(h, axis=0, keepdims=True)             # dgl.mean_nodes
    # SharedGNN concatenates per-graph embeddings; one graph -> [1, HIDDEN]
    return hg

if __name__ == "__main__":
    import jax
    _d = setup_inputs()
    print(jax.jit(kernel)(*tuple(_d.values())))

</pallas_src>

<mosaic_0001>
#map = affine_map<(d0, d1) -> (0, 0, 0)>
#map1 = affine_map<(d0, d1) -> (0, 0)>
module attributes {stable_mosaic.version = 14 : i64} {
  func.func @_agg_kernel(%arg0: i32, %arg1: i32, %arg2: memref<32x80x128xi32, #tpu.memory_space<hbm>>, %arg3: memref<32x80x128xi32, #tpu.memory_space<hbm>>, %arg4: memref<10240x128xf32, #tpu.memory_space<hbm>>, %arg5: memref<640x128xf32, #tpu.memory_space<hbm>>, %arg6: memref<2x10240x128xf32, #tpu.memory_space<hbm>>, %arg7: memref<10240x128xf32, #tpu.memory_space<vmem_shared>>, %arg8: memref<40x128xi32, #tpu.memory_space<vmem>>, %arg9: memref<40x128xi32, #tpu.memory_space<vmem>>, %arg10: memref<128x128xf32, #tpu.memory_space<vmem>>, %arg11: memref<128x128xf32, #tpu.memory_space<vmem>>, %arg12: memref<!tpu.dma_semaphore, #tpu.memory_space<semaphore_mem>>, %arg13: memref<!tpu.dma_semaphore, #tpu.memory_space<semaphore_mem>>) attributes {dimension_semantics = [#tpu.dimension_semantics<core_parallel>, #tpu.dimension_semantics<subcore_parallel>], iteration_bounds = array<i64: 2, 16>, scalar_prefetch = 0 : i64, scratch_operands = 7 : i64, tpu.core_type = #tpu.core_type<sc_vector_subcore>, window_params = [{transform_indices = #map}, {transform_indices = #map}, {transform_indices = #map1}, {transform_indices = #map1}, {transform_indices = #map}]} {
    %mul3A = arith.constant 16 : i32
    %mul3A_0 = arith.muli %arg0, %mul3A : i32
    %add3A = arith.addi %mul3A_0, %arg1 : i32
    %mul3A_1 = arith.constant 640 : i32
    %mul3A_2 = arith.muli %arg1, %mul3A_1 : i32
    "tpu.region"() ({
      %run_scoped3A = tpu.sem_alloc : memref<!tpu.dma_semaphore, #tpu.memory_space<semaphore_mem>>
      %dma_start3A = arith.constant 0 : i32
      %dma_start3A_12 = tpu.memref_slice %arg7[%mul3A_2, %dma_start3A] : memref<10240x128xf32, #tpu.memory_space<vmem_shared>> -> memref<640x128xf32, #tpu.memory_space<vmem_shared>>
      tpu.enqueue_dma source(%arg5 : memref<640x128xf32, #tpu.memory_space<hbm>>) target(%dma_start3A_12 : memref<640x128xf32, #tpu.memory_space<vmem_shared>>) target_semaphore(%run_scoped3A : memref<!tpu.dma_semaphore, #tpu.memory_space<semaphore_mem>>)
      %dma_wait3A = arith.constant 0 : i32
      %dma_wait3A_13 = tpu.memref_slice %arg7[%mul3A_2, %dma_wait3A] : memref<10240x128xf32, #tpu.memory_space<vmem_shared>> -> memref<640x128xf32, #tpu.memory_space<vmem_shared>>
      tpu.wait_dma2 semaphore(%run_scoped3A : memref<!tpu.dma_semaphore, #tpu.memory_space<semaphore_mem>>) src(%arg5 : memref<640x128xf32, #tpu.memory_space<hbm>>) dst(%dma_wait3A_13 : memref<640x128xf32, #tpu.memory_space<vmem_shared>>)
      tpu.yield
    }) : () -> ()
    %barrier3A = arith.constant 0 : index
    tpu.barrier barrier_id(%barrier3A)
    %scan3A = arith.constant 0 : i32
    %scan3A_3 = arith.constant 2 : i32
    %scan3A_4 = arith.addi %scan3A, %scan3A_3 : i32
    %scan3A_5 = arith.constant 1 : i32
    scf.for %scan3A_12 = %scan3A to %scan3A_4 step %scan3A_5  : i32 {
      %mul3A_13 = arith.constant 1 : i32
      %mul3A_14 = arith.muli %scan3A_12, %mul3A_13 : i32
      %add3A_15 = arith.constant 0 : i32
      %add3A_16 = arith.addi %add3A_15, %mul3A_14 : i32
      %mul3A_17 = arith.constant 40 : i32
      %mul3A_18 = arith.muli %add3A_16, %mul3A_17 : i32
      "tpu.region"() ({
        %run_scoped3A_53 = tpu.sem_alloc : memref<!tpu.dma_semaphore, #tpu.memory_space<semaphore_mem>>
        %dma_start3A_54 = arith.constant 0 : i32
        %dma_start3A_55 = tpu.memref_slice %arg2[%add3A, %mul3A_18, %dma_start3A_54] : memref<32x80x128xi32, #tpu.memory_space<hbm>> -> memref<1x40x128xi32, #tpu.memory_space<hbm>>
        %dma_start3A_56 = tpu.memref_squeeze %dma_start3A_55 : memref<1x40x128xi32, #tpu.memory_space<hbm>> -> memref<40x128xi32, #tpu.memory_space<hbm>>
        %dma_start3A_57 = arith.constant 0 : i32
        %dma_start3A_58 = tpu.memref_slice %arg2[%add3A, %mul3A_18, %dma_start3A_57] : memref<32x80x128xi32, #tpu.memory_space<hbm>> -> memref<1x40x128xi32, #tpu.memory_space<hbm>>
        %dma_start3A_59 = tpu.memref_squeeze %dma_start3A_58 : memref<1x40x128xi32, #tpu.memory_space<hbm>> -> memref<40x128xi32, #tpu.memory_space<hbm>>
        tpu.enqueue_dma source(%dma_start3A_59 : memref<40x128xi32, #tpu.memory_space<hbm>>) target(%arg8 : memref<40x128xi32, #tpu.memory_space<vmem>>) target_semaphore(%run_scoped3A_53 : memref<!tpu.dma_semaphore, #tpu.memory_space<semaphore_mem>>)
        %dma_wait3A_60 = arith.constant 0 : i32
        %dma_wait3A_61 = tpu.memref_slice %arg2[%add3A, %mul3A_18, %dma_wait3A_60] : memref<32x80x128xi32, #tpu.memory_space<hbm>> -> memref<1x40x128xi32, #tpu.memory_space<hbm>>
        %dma_wait3A_62 = tpu.memref_squeeze %dma_wait3A_61 : memref<1x40x128xi32, #tpu.memory_space<hbm>> -> memref<40x128xi32, #tpu.memory_space<hbm>>
        %dma_wait3A_63 = arith.constant 0 : i32
        %dma_wait3A_64 = tpu.memref_slice %arg2[%add3A, %mul3A_18, %dma_wait3A_63] : memref<32x80x128xi32, #tpu.memory_space<hbm>> -> memref<1x40x128xi32, #tpu.memory_space<hbm>>
        %dma_wait3A_65 = tpu.memref_squeeze %dma_wait3A_64 : memref<1x40x128xi32, #tpu.memory_space<hbm>> -> memref<40x128xi32, #tpu.memory_space<hbm>>
        tpu.wait_dma2 semaphore(%run_scoped3A_53 : memref<!tpu.dma_semaphore, #tpu.memory_space<semaphore_mem>>) src(%dma_wait3A_65 : memref<40x128xi32, #tpu.memory_space<hbm>>) dst(%arg8 : memref<40x128xi32, #tpu.memory_space<vmem>>)
        tpu.yield
      }) : () -> ()
      %mul3A_19 = arith.constant 40 : i32
      %mul3A_20 = arith.muli %add3A_16, %mul3A_19 : i32
      "tpu.region"() ({
        %run_scoped3A_53 = tpu.sem_alloc : memref<!tpu.dma_semaphore, #tpu.memory_space<semaphore_mem>>
        %dma_start3A_54 = arith.constant 0 : i32
        %dma_start3A_55 = tpu.memref_slice %arg3[%add3A, %mul3A_20, %dma_start3A_54] : memref<32x80x128xi32, #tpu.memory_space<hbm>> -> memref<1x40x128xi32, #tpu.memory_space<hbm>>
        %dma_start3A_56 = tpu.memref_squeeze %dma_start3A_55 : memref<1x40x128xi32, #tpu.memory_space<hbm>> -> memref<40x128xi32, #tpu.memory_space<hbm>>
        %dma_start3A_57 = arith.constant 0 : i32
        %dma_start3A_58 = tpu.memref_slice %arg3[%add3A, %mul3A_20, %dma_start3A_57] : memref<32x80x128xi32, #tpu.memory_space<hbm>> -> memref<1x40x128xi32, #tpu.memory_space<hbm>>
        %dma_start3A_59 = tpu.memref_squeeze %dma_start3A_58 : memref<1x40x128xi32, #tpu.memory_space<hbm>> -> memref<40x128xi32, #tpu.memory_space<hbm>>
        tpu.enqueue_dma source(%dma_start3A_59 : memref<40x128xi32, #tpu.memory_space<hbm>>) target(%arg9 : memref<40x128xi32, #tpu.memory_space<vmem>>) target_semaphore(%run_scoped3A_53 : memref<!tpu.dma_semaphore, #tpu.memory_space<semaphore_mem>>)
        %dma_wait3A_60 = arith.constant 0 : i32
        %dma_wait3A_61 = tpu.memref_slice %arg3[%add3A, %mul3A_20, %dma_wait3A_60] : memref<32x80x128xi32, #tpu.memory_space<hbm>> -> memref<1x40x128xi32, #tpu.memory_space<hbm>>
        %dma_wait3A_62 = tpu.memref_squeeze %dma_wait3A_61 : memref<1x40x128xi32, #tpu.memory_space<hbm>> -> memref<40x128xi32, #tpu.memory_space<hbm>>
        %dma_wait3A_63 = arith.constant 0 : i32
        %dma_wait3A_64 = tpu.memref_slice %arg3[%add3A, %mul3A_20, %dma_wait3A_63] : memref<32x80x128xi32, #tpu.memory_space<hbm>> -> memref<1x40x128xi32, #tpu.memory_space<hbm>>
        %dma_wait3A_65 = tpu.memref_squeeze %dma_wait3A_64 : memref<1x40x128xi32, #tpu.memory_space<hbm>> -> memref<40x128xi32, #tpu.memory_space<hbm>>
        tpu.wait_dma2 semaphore(%run_scoped3A_53 : memref<!tpu.dma_semaphore, #tpu.memory_space<semaphore_mem>>) src(%dma_wait3A_65 : memref<40x128xi32, #tpu.memory_space<hbm>>) dst(%arg9 : memref<40x128xi32, #tpu.memory_space<vmem>>)
        tpu.yield
      }) : () -> ()
      %dma_start3A = arith.constant 0 : i32
      %dma_start3A_21 = arith.constant 0 : i32
      %dma_start3A_22 = tpu.memref_slice %arg8[%dma_start3A, %dma_start3A_21] : memref<40x128xi32, #tpu.memory_space<vmem>> -> memref<1x128xi32, #tpu.memory_space<vmem>>
      %dma_start3A_23 = tpu.memref_squeeze %dma_start3A_22 : memref<1x128xi32, #tpu.memory_space<vmem>> -> memref<128xi32, #tpu.memory_space<vmem>>
      %dma_start3A_24 = arith.constant 0 : i32
      %dma_start3A_25 = arith.constant 0 : i32
      %dma_start3A_26 = tpu.memref_slice %arg4[%dma_start3A_24, %dma_start3A_25] : memref<10240x128xf32, #tpu.memory_space<hbm>> -> memref<10240x128xf32, #tpu.memory_space<hbm>>
      tpu.enqueue_indirect_dma source(%dma_start3A_26 : memref<10240x128xf32, #tpu.memory_space<hbm>>) target(%arg10 : memref<128x128xf32, #tpu.memory_space<vmem>>) offsets(%dma_start3A_23 : memref<128xi32, #tpu.memory_space<vmem>>) semaphore(%arg12 : memref<!tpu.dma_semaphore, #tpu.memory_space<semaphore_mem>>)
      %scan3A_27 = arith.constant 0 : i32
      %scan3A_28 = arith.constant 19 : i32
      %scan3A_29 = arith.addi %scan3A_27, %scan3A_28 : i32
      %scan3A_30 = arith.constant 1 : i32
      scf.for %scan3A_53 = %scan3A_27 to %scan3A_29 step %scan3A_30  : i32 {
        %mul3A_54 = arith.constant 2 : i32
        %mul3A_55 = arith.muli %scan3A_53, %mul3A_54 : i32
        %add3A_56 = arith.constant 0 : i32
        %add3A_57 = arith.addi %add3A_56, %mul3A_55 : i32
        %add3A_58 = arith.constant 1 : i32
        %add3A_59 = arith.addi %add3A_57, %add3A_58 : i32
        %dma_start3A_60 = arith.constant 0 : i32
        %dma_start3A_61 = tpu.memref_slice %arg8[%add3A_59, %dma_start3A_60] : memref<40x128xi32, #tpu.memory_space<vmem>> -> memref<1x128xi32, #tpu.memory_space<vmem>>
        %dma_start3A_62 = tpu.memref_squeeze %dma_start3A_61 : memref<1x128xi32, #tpu.memory_space<vmem>> -> memref<128xi32, #tpu.memory_space<vmem>>
        %dma_start3A_63 = arith.constant 0 : i32
        %dma_start3A_64 = arith.constant 0 : i32
        %dma_start3A_65 = tpu.memref_slice %arg4[%dma_start3A_63, %dma_start3A_64] : memref<10240x128xf32, #tpu.memory_space<hbm>> -> memref<10240x128xf32, #tpu.memory_space<hbm>>
        tpu.enqueue_indirect_dma source(%dma_start3A_65 : memref<10240x128xf32, #tpu.memory_space<hbm>>) target(%arg11 : memref<128x128xf32, #tpu.memory_space<vmem>>) offsets(%dma_start3A_62 : memref<128xi32, #tpu.memory_space<vmem>>) semaphore(%arg13 : memref<!tpu.dma_semaphore, #tpu.memory_space<semaphore_mem>>)
        %dma_wait3A_66 = arith.constant 0 : i32
        %dma_wait3A_67 = tpu.memref_slice %arg8[%add3A_57, %dma_wait3A_66] : memref<40x128xi32, #tpu.memory_space<vmem>> -> memref<1x128xi32, #tpu.memory_space<vmem>>
        %dma_wait3A_68 = tpu.memref_squeeze %dma_wait3A_67 : memref<1x128xi32, #tpu.memory_space<vmem>> -> memref<128xi32, #tpu.memory_space<vmem>>
        %dma_wait3A_69 = arith.constant 0 : i32
        %dma_wait3A_70 = arith.constant 0 : i32
        %dma_wait3A_71 = tpu.memref_slice %arg4[%dma_wait3A_69, %dma_wait3A_70] : memref<10240x128xf32, #tpu.memory_space<hbm>> -> memref<10240x128xf32, #tpu.memory_space<hbm>>
        tpu.wait_indirect_dma semaphore(%arg12 : memref<!tpu.dma_semaphore, #tpu.memory_space<semaphore_mem>>) src(%dma_wait3A_71 : memref<10240x128xf32, #tpu.memory_space<hbm>>) dst(%arg10 : memref<128x128xf32, #tpu.memory_space<vmem>>)
        "tpu.region"() ({
          %run_scoped3A_90 = tpu.sem_alloc : memref<!tpu.dma_semaphore, #tpu.memory_space<semaphore_mem>>
          %dma_start3A_91 = arith.constant 0 : i32
          %dma_start3A_92 = tpu.memref_slice %arg9[%add3A_57, %dma_start3A_91] : memref<40x128xi32, #tpu.memory_space<vmem>> -> memref<1x128xi32, #tpu.memory_space<vmem>>
          %dma_start3A_93 = tpu.memref_squeeze %dma_start3A_92 : memref<1x128xi32, #tpu.memory_space<vmem>> -> memref<128xi32, #tpu.memory_space<vmem>>
          %dma_start3A_94 = arith.constant 0 : i32
          %dma_start3A_95 = arith.constant 0 : i32
          %dma_start3A_96 = tpu.memref_slice %arg7[%dma_start3A_94, %dma_start3A_95] : memref<10240x128xf32, #tpu.memory_space<vmem_shared>> -> memref<10240x128xf32, #tpu.memory_space<vmem_shared>>
          tpu.enqueue_indirect_dma source(%arg10 : memref<128x128xf32, #tpu.memory_space<vmem>>) target(%dma_start3A_96 : memref<10240x128xf32, #tpu.memory_space<vmem_shared>>) offsets(%dma_start3A_93 : memref<128xi32, #tpu.memory_space<vmem>>) semaphore(%run_scoped3A_90 : memref<!tpu.dma_semaphore, #tpu.memory_space<semaphore_mem>>) {add = true}
          %dma_wait3A_97 = arith.constant 0 : i32
          %dma_wait3A_98 = tpu.memref_slice %arg9[%add3A_57, %dma_wait3A_97] : memref<40x128xi32, #tpu.memory_space<vmem>> -> memref<1x128xi32, #tpu.memory_space<vmem>>
          %dma_wait3A_99 = tpu.memref_squeeze %dma_wait3A_98 : memref<1x128xi32, #tpu.memory_space<vmem>> -> memref<128xi32, #tpu.memory_space<vmem>>
          %dma_wait3A_100 = arith.constant 0 : i32
          %dma_wait3A_101 = arith.constant 0 : i32
          %dma_wait3A_102 = tpu.memref_slice %arg7[%dma_wait3A_100, %dma_wait3A_101] : memref<10240x128xf32, #tpu.memory_space<vmem_shared>> -> memref<10240x128xf32, #tpu.memory_space<vmem_shared>>
          tpu.wait_indirect_dma semaphore(%run_scoped3A_90 : memref<!tpu.dma_semaphore, #tpu.memory_space<semaphore_mem>>) src(%arg10 : memref<128x128xf32, #tpu.memory_space<vmem>>) dst(%dma_wait3A_102 : memref<10240x128xf32, #tpu.memory_space<vmem_shared>>)
          tpu.yield
        }) : () -> ()
        %add3A_72 = arith.constant 2 : i32
        %add3A_73 = arith.addi %add3A_57, %add3A_72 : i32
        %dma_start3A_74 = arith.constant 0 : i32
        %dma_start3A_75 = tpu.memref_slice %arg8[%add3A_73, %dma_start3A_74] : memref<40x128xi32, #tpu.memory_space<vmem>> -> memref<1x128xi32, #tpu.memory_space<vmem>>
        %dma_start3A_76 = tpu.memref_squeeze %dma_start3A_75 : memref<1x128xi32, #tpu.memory_space<vmem>> -> memref<128xi32, #tpu.memory_space<vmem>>
        %dma_start3A_77 = arith.constant 0 : i32
        %dma_start3A_78 = arith.constant 0 : i32
        %dma_start3A_79 = tpu.memref_slice %arg4[%dma_start3A_77, %dma_start3A_78] : memref<10240x128xf32, #tpu.memory_space<hbm>> -> memref<10240x128xf32, #tpu.memory_space<hbm>>
        tpu.enqueue_indirect_dma source(%dma_start3A_79 : memref<10240x128xf32, #tpu.memory_space<hbm>>) target(%arg10 : memref<128x128xf32, #tpu.memory_space<vmem>>) offsets(%dma_start3A_76 : memref<128xi32, #tpu.memory_space<vmem>>) semaphore(%arg12 : memref<!tpu.dma_semaphore, #tpu.memory_space<semaphore_mem>>)
        %add3A_80 = arith.constant 1 : i32
        %add3A_81 = arith.addi %add3A_57, %add3A_80 : i32
        %dma_wait3A_82 = arith.constant 0 : i32
        %dma_wait3A_83 = tpu.memref_slice %arg8[%add3A_81, %dma_wait3A_82] : memref<40x128xi32, #tpu.memory_space<vmem>> -> memref<1x128xi32, #tpu.memory_space<vmem>>
        %dma_wait3A_84 = tpu.memref_squeeze %dma_wait3A_83 : memref<1x128xi32, #tpu.memory_space<vmem>> -> memref<128xi32, #tpu.memory_space<vmem>>
        %dma_wait3A_85 = arith.constant 0 : i32
        %dma_wait3A_86 = arith.constant 0 : i32
        %dma_wait3A_87 = tpu.memref_slice %arg4[%dma_wait3A_85, %dma_wait3A_86] : memref<10240x128xf32, #tpu.memory_space<hbm>> -> memref<10240x128xf32, #tpu.memory_space<hbm>>
        tpu.wait_indirect_dma semaphore(%arg13 : memref<!tpu.dma_semaphore, #tpu.memory_space<semaphore_mem>>) src(%dma_wait3A_87 : memref<10240x128xf32, #tpu.memory_space<hbm>>) dst(%arg11 : memref<128x128xf32, #tpu.memory_space<vmem>>)
        %add3A_88 = arith.constant 1 : i32
        %add3A_89 = arith.addi %add3A_57, %add3A_88 : i32
        "tpu.region"() ({
          %run_scoped3A_90 = tpu.sem_alloc : memref<!tpu.dma_semaphore, #tpu.memory_space<semaphore_mem>>
          %dma_start3A_91 = arith.constant 0 : i32
          %dma_start3A_92 = tpu.memref_slice %arg9[%add3A_89, %dma_start3A_91] : memref<40x128xi32, #tpu.memory_space<vmem>> -> memref<1x128xi32, #tpu.memory_space<vmem>>
          %dma_start3A_93 = tpu.memref_squeeze %dma_start3A_92 : memref<1x128xi32, #tpu.memory_space<vmem>> -> memref<128xi32, #tpu.memory_space<vmem>>
          %dma_start3A_94 = arith.constant 0 : i32
          %dma_start3A_95 = arith.constant 0 : i32
          %dma_start3A_96 = tpu.memref_slice %arg7[%dma_start3A_94, %dma_start3A_95] : memref<10240x128xf32, #tpu.memory_space<vmem_shared>> -> memref<10240x128xf32, #tpu.memory_space<vmem_shared>>
          tpu.enqueue_indirect_dma source(%arg11 : memref<128x128xf32, #tpu.memory_space<vmem>>) target(%dma_start3A_96 : memref<10240x128xf32, #tpu.memory_space<vmem_shared>>) offsets(%dma_start3A_93 : memref<128xi32, #tpu.memory_space<vmem>>) semaphore(%run_scoped3A_90 : memref<!tpu.dma_semaphore, #tpu.memory_space<semaphore_mem>>) {add = true}
          %dma_wait3A_97 = arith.constant 0 : i32
          %dma_wait3A_98 = tpu.memref_slice %arg9[%add3A_89, %dma_wait3A_97] : memref<40x128xi32, #tpu.memory_space<vmem>> -> memref<1x128xi32, #tpu.memory_space<vmem>>
          %dma_wait3A_99 = tpu.memref_squeeze %dma_wait3A_98 : memref<1x128xi32, #tpu.memory_space<vmem>> -> memref<128xi32, #tpu.memory_space<vmem>>
          %dma_wait3A_100 = arith.constant 0 : i32
          %dma_wait3A_101 = arith.constant 0 : i32
          %dma_wait3A_102 = tpu.memref_slice %arg7[%dma_wait3A_100, %dma_wait3A_101] : memref<10240x128xf32, #tpu.memory_space<vmem_shared>> -> memref<10240x128xf32, #tpu.memory_space<vmem_shared>>
          tpu.wait_indirect_dma semaphore(%run_scoped3A_90 : memref<!tpu.dma_semaphore, #tpu.memory_space<semaphore_mem>>) src(%arg11 : memref<128x128xf32, #tpu.memory_space<vmem>>) dst(%dma_wait3A_102 : memref<10240x128xf32, #tpu.memory_space<vmem_shared>>)
          tpu.yield
        }) : () -> ()
      }
      %scan3A_31 = arith.constant 19 : i32
      %dma_start3A_32 = arith.constant 39 : i32
      %dma_start3A_33 = arith.constant 0 : i32
      %dma_start3A_34 = tpu.memref_slice %arg8[%dma_start3A_32, %dma_start3A_33] : memref<40x128xi32, #tpu.memory_space<vmem>> -> memref<1x128xi32, #tpu.memory_space<vmem>>
      %dma_start3A_35 = tpu.memref_squeeze %dma_start3A_34 : memref<1x128xi32, #tpu.memory_space<vmem>> -> memref<128xi32, #tpu.memory_space<vmem>>
      %dma_start3A_36 = arith.constant 0 : i32
      %dma_start3A_37 = arith.constant 0 : i32
      %dma_start3A_38 = tpu.memref_slice %arg4[%dma_start3A_36, %dma_start3A_37] : memref<10240x128xf32, #tpu.memory_space<hbm>> -> memref<10240x128xf32, #tpu.memory_space<hbm>>
      tpu.enqueue_indirect_dma source(%dma_start3A_38 : memref<10240x128xf32, #tpu.memory_space<hbm>>) target(%arg11 : memref<128x128xf32, #tpu.memory_space<vmem>>) offsets(%dma_start3A_35 : memref<128xi32, #tpu.memory_space<vmem>>) semaphore(%arg13 : memref<!tpu.dma_semaphore, #tpu.memory_space<semaphore_mem>>)
      %dma_wait3A = arith.constant 38 : i32
      %dma_wait3A_39 = arith.constant 0 : i32
      %dma_wait3A_40 = tpu.memref_slice %arg8[%dma_wait3A, %dma_wait3A_39] : memref<40x128xi32, #tpu.memory_space<vmem>> -> memref<1x128xi32, #tpu.memory_space<vmem>>
      %dma_wait3A_41 = tpu.memref_squeeze %dma_wait3A_40 : memref<1x128xi32, #tpu.memory_space<vmem>> -> memref<128xi32, #tpu.memory_space<vmem>>
      %dma_wait3A_42 = arith.constant 0 : i32
      %dma_wait3A_43 = arith.constant 0 : i32
      %dma_wait3A_44 = tpu.memref_slice %arg4[%dma_wait3A_42, %dma_wait3A_43] : memref<10240x128xf32, #tpu.memory_space<hbm>> -> memref<10240x128xf32, #tpu.memory_space<hbm>>
      tpu.wait_indirect_dma semaphore(%arg12 : memref<!tpu.dma_semaphore, #tpu.memory_space<semaphore_mem>>) src(%dma_wait3A_44 : memref<10240x128xf32, #tpu.memory_space<hbm>>) dst(%arg10 : memref<128x128xf32, #tpu.memory_space<vmem>>)
      %run_scoped3A = arith.constant 38 : i32
      "tpu.region"() ({
        %run_scoped3A_53 = tpu.sem_alloc : memref<!tpu.dma_semaphore, #tpu.memory_space<semaphore_mem>>
        %dma_start3A_54 = arith.constant 0 : i32
        %dma_start3A_55 = tpu.memref_slice %arg9[%run_scoped3A, %dma_start3A_54] : memref<40x128xi32, #tpu.memory_space<vmem>> -> memref<1x128xi32, #tpu.memory_space<vmem>>
        %dma_start3A_56 = tpu.memref_squeeze %dma_start3A_55 : memref<1x128xi32, #tpu.memory_space<vmem>> -> memref<128xi32, #tpu.memory_space<vmem>>
        %dma_start3A_57 = arith.constant 0 : i32
        %dma_start3A_58 = arith.constant 0 : i32
        %dma_start3A_59 = tpu.memref_slice %arg7[%dma_start3A_57, %dma_start3A_58] : memref<10240x128xf32, #tpu.memory_space<vmem_shared>> -> memref<10240x128xf32, #tpu.memory_space<vmem_shared>>
        tpu.enqueue_indirect_dma source(%arg10 : memref<128x128xf32, #tpu.memory_space<vmem>>) target(%dma_start3A_59 : memref<10240x128xf32, #tpu.memory_space<vmem_shared>>) offsets(%dma_start3A_56 : memref<128xi32, #tpu.memory_space<vmem>>) semaphore(%run_scoped3A_53 : memref<!tpu.dma_semaphore, #tpu.memory_space<semaphore_mem>>) {add = true}
        %dma_wait3A_60 = arith.constant 0 : i32
        %dma_wait3A_61 = tpu.memref_slice %arg9[%run_scoped3A, %dma_wait3A_60] : memref<40x128xi32, #tpu.memory_space<vmem>> -> memref<1x128xi32, #tpu.memory_space<vmem>>
        %dma_wait3A_62 = tpu.memref_squeeze %dma_wait3A_61 : memref<1x128xi32, #tpu.memory_space<vmem>> -> memref<128xi32, #tpu.memory_space<vmem>>
        %dma_wait3A_63 = arith.constant 0 : i32
        %dma_wait3A_64 = arith.constant 0 : i32
        %dma_wait3A_65 = tpu.memref_slice %arg7[%dma_wait3A_63, %dma_wait3A_64] : memref<10240x128xf32, #tpu.memory_space<vmem_shared>> -> memref<10240x128xf32, #tpu.memory_space<vmem_shared>>
        tpu.wait_indirect_dma semaphore(%run_scoped3A_53 : memref<!tpu.dma_semaphore, #tpu.memory_space<semaphore_mem>>) src(%arg10 : memref<128x128xf32, #tpu.memory_space<vmem>>) dst(%dma_wait3A_65 : memref<10240x128xf32, #tpu.memory_space<vmem_shared>>)
        tpu.yield
      }) : () -> ()
      %dma_wait3A_45 = arith.constant 39 : i32
      %dma_wait3A_46 = arith.constant 0 : i32
      %dma_wait3A_47 = tpu.memref_slice %arg8[%dma_wait3A_45, %dma_wait3A_46] : memref<40x128xi32, #tpu.memory_space<vmem>> -> memref<1x128xi32, #tpu.memory_space<vmem>>
      %dma_wait3A_48 = tpu.memref_squeeze %dma_wait3A_47 : memref<1x128xi32, #tpu.memory_space<vmem>> -> memref<128xi32, #tpu.memory_space<vmem>>
      %dma_wait3A_49 = arith.constant 0 : i32
      %dma_wait3A_50 = arith.constant 0 : i32
      %dma_wait3A_51 = tpu.memref_slice %arg4[%dma_wait3A_49, %dma_wait3A_50] : memref<10240x128xf32, #tpu.memory_space<hbm>> -> memref<10240x128xf32, #tpu.memory_space<hbm>>
      tpu.wait_indirect_dma semaphore(%arg13 : memref<!tpu.dma_semaphore, #tpu.memory_space<semaphore_mem>>) src(%dma_wait3A_51 : memref<10240x128xf32, #tpu.memory_space<hbm>>) dst(%arg11 : memref<128x128xf32, #tpu.memory_space<vmem>>)
      %run_scoped3A_52 = arith.constant 39 : i32
      "tpu.region"() ({
        %run_scoped3A_53 = tpu.sem_alloc : memref<!tpu.dma_semaphore, #tpu.memory_space<semaphore_mem>>
        %dma_start3A_54 = arith.constant 0 : i32
        %dma_start3A_55 = tpu.memref_slice %arg9[%run_scoped3A_52, %dma_start3A_54] : memref<40x128xi32, #tpu.memory_space<vmem>> -> memref<1x128xi32, #tpu.memory_space<vmem>>
        %dma_start3A_56 = tpu.memref_squeeze %dma_start3A_55 : memref<1x128xi32, #tpu.memory_space<vmem>> -> memref<128xi32, #tpu.memory_space<vmem>>
        %dma_start3A_57 = arith.constant 0 : i32
        %dma_start3A_58 = arith.constant 0 : i32
        %dma_start3A_59 = tpu.memref_slice %arg7[%dma_start3A_57, %dma_start3A_58] : memref<10240x128xf32, #tpu.memory_space<vmem_shared>> -> memref<10240x128xf32, #tpu.memory_space<vmem_shared>>
        tpu.enqueue_indirect_dma source(%arg11 : memref<128x128xf32, #tpu.memory_space<vmem>>) target(%dma_start3A_59 : memref<10240x128xf32, #tpu.memory_space<vmem_shared>>) offsets(%dma_start3A_56 : memref<128xi32, #tpu.memory_space<vmem>>) semaphore(%run_scoped3A_53 : memref<!tpu.dma_semaphore, #tpu.memory_space<semaphore_mem>>) {add = true}
        %dma_wait3A_60 = arith.constant 0 : i32
        %dma_wait3A_61 = tpu.memref_slice %arg9[%run_scoped3A_52, %dma_wait3A_60] : memref<40x128xi32, #tpu.memory_space<vmem>> -> memref<1x128xi32, #tpu.memory_space<vmem>>
        %dma_wait3A_62 = tpu.memref_squeeze %dma_wait3A_61 : memref<1x128xi32, #tpu.memory_space<vmem>> -> memref<128xi32, #tpu.memory_space<vmem>>
        %dma_wait3A_63 = arith.constant 0 : i32
        %dma_wait3A_64 = arith.constant 0 : i32
        %dma_wait3A_65 = tpu.memref_slice %arg7[%dma_wait3A_63, %dma_wait3A_64] : memref<10240x128xf32, #tpu.memory_space<vmem_shared>> -> memref<10240x128xf32, #tpu.memory_space<vmem_shared>>
        tpu.wait_indirect_dma semaphore(%run_scoped3A_53 : memref<!tpu.dma_semaphore, #tpu.memory_space<semaphore_mem>>) src(%arg11 : memref<128x128xf32, #tpu.memory_space<vmem>>) dst(%dma_wait3A_65 : memref<10240x128xf32, #tpu.memory_space<vmem_shared>>)
        tpu.yield
      }) : () -> ()
    }
    %scan3A_6 = arith.constant 2 : i32
    %barrier3A_7 = arith.constant 0 : index
    tpu.barrier barrier_id(%barrier3A_7)
    %mul3A_8 = arith.constant 640 : i32
    %mul3A_9 = arith.muli %arg1, %mul3A_8 : i32
    %mul3A_10 = arith.constant 640 : i32
    %mul3A_11 = arith.muli %arg1, %mul3A_10 : i32
    "tpu.region"() ({
      %run_scoped3A = tpu.sem_alloc : memref<!tpu.dma_semaphore, #tpu.memory_space<semaphore_mem>>
      %dma_start3A = arith.constant 0 : i32
      %dma_start3A_12 = tpu.memref_slice %arg6[%arg0, %mul3A_11, %dma_start3A] : memref<2x10240x128xf32, #tpu.memory_space<hbm>> -> memref<1x640x128xf32, #tpu.memory_space<hbm>>
      %dma_start3A_13 = tpu.memref_squeeze %dma_start3A_12 : memref<1x640x128xf32, #tpu.memory_space<hbm>> -> memref<640x128xf32, #tpu.memory_space<hbm>>
      %dma_start3A_14 = arith.constant 0 : i32
      %dma_start3A_15 = tpu.memref_slice %arg7[%mul3A_9, %dma_start3A_14] : memref<10240x128xf32, #tpu.memory_space<vmem_shared>> -> memref<640x128xf32, #tpu.memory_space<vmem_shared>>
      tpu.enqueue_dma source(%dma_start3A_15 : memref<640x128xf32, #tpu.memory_space<vmem_shared>>) target(%dma_start3A_13 : memref<640x128xf32, #tpu.memory_space<hbm>>) target_semaphore(%run_scoped3A : memref<!tpu.dma_semaphore, #tpu.memory_space<semaphore_mem>>)
      %dma_wait3A = arith.constant 0 : i32
      %dma_wait3A_16 = tpu.memref_slice %arg6[%arg0, %mul3A_11, %dma_wait3A] : memref<2x10240x128xf32, #tpu.memory_space<hbm>> -> memref<1x640x128xf32, #tpu.memory_space<hbm>>
      %dma_wait3A_17 = tpu.memref_squeeze %dma_wait3A_16 : memref<1x640x128xf32, #tpu.memory_space<hbm>> -> memref<640x128xf32, #tpu.memory_space<hbm>>
      %dma_wait3A_18 = arith.constant 0 : i32
      %dma_wait3A_19 = tpu.memref_slice %arg7[%mul3A_9, %dma_wait3A_18] : memref<10240x128xf32, #tpu.memory_space<vmem_shared>> -> memref<640x128xf32, #tpu.memory_space<vmem_shared>>
      tpu.wait_dma2 semaphore(%run_scoped3A : memref<!tpu.dma_semaphore, #tpu.memory_space<semaphore_mem>>) src(%dma_wait3A_19 : memref<640x128xf32, #tpu.memory_space<vmem_shared>>) dst(%dma_wait3A_17 : memref<640x128xf32, #tpu.memory_space<hbm>>)
      tpu.yield
    }) : () -> ()
    return
  }
}

#map = affine_map<(d0, d1) -> (0, 0, 0, 0)>
#map1 = affine_map<(d0, d1) -> (0, 0)>
module attributes {stable_mosaic.version = 14 : i64} {
  func.func @_deg_kernel(%arg0: i32, %arg1: i32, %arg2: memref<2x16x160x128xi32, #tpu.memory_space<hbm>>, %arg3: memref<2x10240xf32, #tpu.memory_space<hbm>>, %arg4: memref<10240xf32, #tpu.memory_space<vmem_shared>>, %arg5: memref<160x128xi32, #tpu.memory_space<vmem>>, %arg6: memref<128xf32, #tpu.memory_space<vmem>>, %arg7: memref<640xf32, #tpu.memory_space<vmem>>) attributes {dimension_semantics = [#tpu.dimension_semantics<core_parallel>, #tpu.dimension_semantics<subcore_parallel>], iteration_bounds = array<i64: 2, 16>, scalar_prefetch = 0 : i64, scratch_operands = 4 : i64, tpu.core_type = #tpu.core_type<sc_vector_subcore>, window_params = [{transform_indices = #map}, {transform_indices = #map1}]} {
    %broadcast_in_dim3A = arith.constant 1.000000e+00 : f32
    %broadcast_in_dim3A_0 = vector.broadcast %broadcast_in_dim3A : f32 to vector<16xf32>
    %swap3A = arith.constant 0 : index
    %swap3A_1 = tpu.vector_load %arg6[%swap3A] {strides = array<i32>} : memref<128xf32, #tpu.memory_space<vmem>>, vector<16xf32>,
    tpu.vector_store %arg6[%swap3A], %broadcast_in_dim3A_0 {strides = array<i32>} : memref<128xf32, #tpu.memory_space<vmem>>, vector<16xf32>,
    %broadcast_in_dim3A_2 = arith.constant 1.000000e+00 : f32
    %broadcast_in_dim3A_3 = vector.broadcast %broadcast_in_dim3A_2 : f32 to vector<16xf32>
    %swap3A_4 = arith.constant 16 : index
    %swap3A_5 = tpu.vector_load %arg6[%swap3A_4] {strides = array<i32>} : memref<128xf32, #tpu.memory_space<vmem>>, vector<16xf32>,
    tpu.vector_store %arg6[%swap3A_4], %broadcast_in_dim3A_3 {strides = array<i32>} : memref<128xf32, #tpu.memory_space<vmem>>, vector<16xf32>,
    %broadcast_in_dim3A_6 = arith.constant 1.000000e+00 : f32
    %broadcast_in_dim3A_7 = vector.broadcast %broadcast_in_dim3A_6 : f32 to vector<16xf32>
    %swap3A_8 = arith.constant 32 : index
    %swap3A_9 = tpu.vector_load %arg6[%swap3A_8] {strides = array<i32>} : memref<128xf32, #tpu.memory_space<vmem>>, vector<16xf32>,
    tpu.vector_store %arg6[%swap3A_8], %broadcast_in_dim3A_7 {strides = array<i32>} : memref<128xf32, #tpu.memory_space<vmem>>, vector<16xf32>,
    %broadcast_in_dim3A_10 = arith.constant 1.000000e+00 : f32
    %broadcast_in_dim3A_11 = vector.broadcast %broadcast_in_dim3A_10 : f32 to vector<16xf32>
    %swap3A_12 = arith.constant 48 : index
    %swap3A_13 = tpu.vector_load %arg6[%swap3A_12] {strides = array<i32>} : memref<128xf32, #tpu.memory_space<vmem>>, vector<16xf32>,
    tpu.vector_store %arg6[%swap3A_12], %broadcast_in_dim3A_11 {strides = array<i32>} : memref<128xf32, #tpu.memory_space<vmem>>, vector<16xf32>,
    %broadcast_in_dim3A_14 = arith.constant 1.000000e+00 : f32
    %broadcast_in_dim3A_15 = vector.broadcast %broadcast_in_dim3A_14 : f32 to vector<16xf32>
    %swap3A_16 = arith.constant 64 : index
    %swap3A_17 = tpu.vector_load %arg6[%swap3A_16] {strides = array<i32>} : memref<128xf32, #tpu.memory_space<vmem>>, vector<16xf32>,
    tpu.vector_store %arg6[%swap3A_16], %broadcast_in_dim3A_15 {strides = array<i32>} : memref<128xf32, #tpu.memory_space<vmem>>, vector<16xf32>,
    %broadcast_in_dim3A_18 = arith.constant 1.000000e+00 : f32
    %broadcast_in_dim3A_19 = vector.broadcast %broadcast_in_dim3A_18 : f32 to vector<16xf32>
    %swap3A_20 = arith.constant 80 : index
    %swap3A_21 = tpu.vector_load %arg6[%swap3A_20] {strides = array<i32>} : memref<128xf32, #tpu.memory_space<vmem>>, vector<16xf32>,
    tpu.vector_store %arg6[%swap3A_20], %broadcast_in_dim3A_19 {strides = array<i32>} : memref<128xf32, #tpu.memory_space<vmem>>, vector<16xf32>,
    %broadcast_in_dim3A_22 = arith.constant 1.000000e+00 : f32
    %broadcast_in_dim3A_23 = vector.broadcast %broadcast_in_dim3A_22 : f32 to vector<16xf32>
    %swap3A_24 = arith.constant 96 : index
    %swap3A_25 = tpu.vector_load %arg6[%swap3A_24] {strides = array<i32>} : memref<128xf32, #tpu.memory_space<vmem>>, vector<16xf32>,
    tpu.vector_store %arg6[%swap3A_24], %broadcast_in_dim3A_23 {strides = array<i32>} : memref<128xf32, #tpu.memory_space<vmem>>, vector<16xf32>,
    %broadcast_in_dim3A_26 = arith.constant 1.000000e+00 : f32
    %broadcast_in_dim3A_27 = vector.broadcast %broadcast_in_dim3A_26 : f32 to vector<16xf32>
    %swap3A_28 = arith.constant 112 : index
    %swap3A_29 = tpu.vector_load %arg6[%swap3A_28] {strides = array<i32>} : memref<128xf32, #tpu.memory_space<vmem>>, vector<16xf32>,
    tpu.vector_store %arg6[%swap3A_28], %broadcast_in_dim3A_27 {strides = array<i32>} : memref<128xf32, #tpu.memory_space<vmem>>, vector<16xf32>,
    %broadcast_in_dim3A_30 = arith.constant 0.000000e+00 : f32
    %broadcast_in_dim3A_31 = vector.broadcast %broadcast_in_dim3A_30 : f32 to vector<16xf32>
    %swap3A_32 = arith.constant 0 : index
    %swap3A_33 = tpu.vector_load %arg7[%swap3A_32] {strides = array<i32>} : memref<640xf32, #tpu.memory_space<vmem>>, vector<16xf32>,
    tpu.vector_store %arg7[%swap3A_32], %broadcast_in_dim3A_31 {strides = array<i32>} : memref<640xf32, #tpu.memory_space<vmem>>, vector<16xf32>,
    %broadcast_in_dim3A_34 = arith.constant 0.000000e+00 : f32
    %broadcast_in_dim3A_35 = vector.broadcast %broadcast_in_dim3A_34 : f32 to vector<16xf32>
    %swap3A_36 = arith.constant 16 : index
    %swap3A_37 = tpu.vector_load %arg7[%swap3A_36] {strides = array<i32>} : memref<640xf32, #tpu.memory_space<vmem>>, vector<16xf32>,
    tpu.vector_store %arg7[%swap3A_36], %broadcast_in_dim3A_35 {strides = array<i32>} : memref<640xf32, #tpu.memory_space<vmem>>, vector<16xf32>,
    %broadcast_in_dim3A_38 = arith.constant 0.000000e+00 : f32
    %broadcast_in_dim3A_39 = vector.broadcast %broadcast_in_dim3A_38 : f32 to vector<16xf32>
    %swap3A_40 = arith.constant 32 : index
    %swap3A_41 = tpu.vector_load %arg7[%swap3A_40] {strides = array<i32>} : memref<640xf32, #tpu.memory_space<vmem>>, vector<16xf32>,
    tpu.vector_store %arg7[%swap3A_40], %broadcast_in_dim3A_39 {strides = array<i32>} : memref<640xf32, #tpu.memory_space<vmem>>, vector<16xf32>,
    %broadcast_in_dim3A_42 = arith.constant 0.000000e+00 : f32
    %broadcast_in_dim3A_43 = vector.broadcast %broadcast_in_dim3A_42 : f32 to vector<16xf32>
    %swap3A_44 = arith.constant 48 : index
    %swap3A_45 = tpu.vector_load %arg7[%swap3A_44] {strides = array<i32>} : memref<640xf32, #tpu.memory_space<vmem>>, vector<16xf32>,
    tpu.vector_store %arg7[%swap3A_44], %broadcast_in_dim3A_43 {strides = array<i32>} : memref<640xf32, #tpu.memory_space<vmem>>, vector<16xf32>,
    %broadcast_in_dim3A_46 = arith.constant 0.000000e+00 : f32
    %broadcast_in_dim3A_47 = vector.broadcast %broadcast_in_dim3A_46 : f32 to vector<16xf32>
    %swap3A_48 = arith.constant 64 : index
    %swap3A_49 = tpu.vector_load %arg7[%swap3A_48] {strides = array<i32>} : memref<640xf32, #tpu.memory_space<vmem>>, vector<16xf32>,
    tpu.vector_store %arg7[%swap3A_48], %broadcast_in_dim3A_47 {strides = array<i32>} : memref<640xf32, #tpu.memory_space<vmem>>, vector<16xf32>,
    %broadcast_in_dim3A_50 = arith.constant 0.000000e+00 : f32
    %broadcast_in_dim3A_51 = vector.broadcast %broadcast_in_dim3A_50 : f32 to vector<16xf32>
    %swap3A_52 = arith.constant 80 : index
    %swap3A_53 = tpu.vector_load %arg7[%swap3A_52] {strides = array<i32>} : memref<640xf32, #tpu.memory_space<vmem>>, vector<16xf32>,
    tpu.vector_store %arg7[%swap3A_52], %broadcast_in_dim3A_51 {strides = array<i32>} : memref<640xf32, #tpu.memory_space<vmem>>, vector<16xf32>,
    %broadcast_in_dim3A_54 = arith.constant 0.000000e+00 : f32
    %broadcast_in_dim3A_55 = vector.broadcast %broadcast_in_dim3A_54 : f32 to vector<16xf32>
    %swap3A_56 = arith.constant 96 : index
    %swap3A_57 = tpu.vector_load %arg7[%swap3A_56] {strides = array<i32>} : memref<640xf32, #tpu.memory_space<vmem>>, vector<16xf32>,
    tpu.vector_store %arg7[%swap3A_56], %broadcast_in_dim3A_55 {strides = array<i32>} : memref<640xf32, #tpu.memory_space<vmem>>, vector<16xf32>,
    %broadcast_in_dim3A_58 = arith.constant 0.000000e+00 : f32
    %broadcast_in_dim3A_59 = vector.broadcast %broadcast_in_dim3A_58 : f32 to vector<16xf32>
    %swap3A_60 = arith.constant 112 : index
    %swap3A_61 = tpu.vector_load %arg7[%swap3A_60] {strides = array<i32>} : memref<640xf32, #tpu.memory_space<vmem>>, vector<16xf32>,
    tpu.vector_store %arg7[%swap3A_60], %broadcast_in_dim3A_59 {strides = array<i32>} : memref<640xf32, #tpu.memory_space<vmem>>, vector<16xf32>,
    %broadcast_in_dim3A_62 = arith.constant 0.000000e+00 : f32
    %broadcast_in_dim3A_63 = vector.broadcast %broadcast_in_dim3A_62 : f32 to vector<16xf32>
    %swap3A_64 = arith.constant 128 : index
    %swap3A_65 = tpu.vector_load %arg7[%swap3A_64] {strides = array<i32>} : memref<640xf32, #tpu.memory_space<vmem>>, vector<16xf32>,
    tpu.vector_store %arg7[%swap3A_64], %broadcast_in_dim3A_63 {strides = array<i32>} : memref<640xf32, #tpu.memory_space<vmem>>, vector<16xf32>,
    %broadcast_in_dim3A_66 = arith.constant 0.000000e+00 : f32
    %broadcast_in_dim3A_67 = vector.broadcast %broadcast_in_dim3A_66 : f32 to vector<16xf32>
    %swap3A_68 = arith.constant 144 : index
    %swap3A_69 = tpu.vector_load %arg7[%swap3A_68] {strides = array<i32>} : memref<640xf32, #tpu.memory_space<vmem>>, vector<16xf32>,
    tpu.vector_store %arg7[%swap3A_68], %broadcast_in_dim3A_67 {strides = array<i32>} : memref<640xf32, #tpu.memory_space<vmem>>, vector<16xf32>,
    %broadcast_in_dim3A_70 = arith.constant 0.000000e+00 : f32
    %broadcast_in_dim3A_71 = vector.broadcast %broadcast_in_dim3A_70 : f32 to vector<16xf32>
    %swap3A_72 = arith.constant 160 : index
    %swap3A_73 = tpu.vector_load %arg7[%swap3A_72] {strides = array<i32>} : memref<640xf32, #tpu.memory_space<vmem>>, vector<16xf32>,
    tpu.vector_store %arg7[%swap3A_72], %broadcast_in_dim3A_71 {strides = array<i32>} : memref<640xf32, #tpu.memory_space<vmem>>, vector<16xf32>,
    %broadcast_in_dim3A_74 = arith.constant 0.000000e+00 : f32
    %broadcast_in_dim3A_75 = vector.broadcast %broadcast_in_dim3A_74 : f32 to vector<16xf32>
    %swap3A_76 = arith.constant 176 : index
    %swap3A_77 = tpu.vector_load %arg7[%swap3A_76] {strides = array<i32>} : memref<640xf32, #tpu.memory_space<vmem>>, vector<16xf32>,
    tpu.vector_store %arg7[%swap3A_76], %broadcast_in_dim3A_75 {strides = array<i32>} : memref<640xf32, #tpu.memory_space<vmem>>, vector<16xf32>,
    %broadcast_in_dim3A_78 = arith.constant 0.000000e+00 : f32
    %broadcast_in_dim3A_79 = vector.broadcast %broadcast_in_dim3A_78 : f32 to vector<16xf32>
    %swap3A_80 = arith.constant 192 : index
    %swap3A_81 = tpu.vector_load %arg7[%swap3A_80] {strides = array<i32>} : memref<640xf32, #tpu.memory_space<vmem>>, vector<16xf32>,
    tpu.vector_store %arg7[%swap3A_80], %broadcast_in_dim3A_79 {strides = array<i32>} : memref<640xf32, #tpu.memory_space<vmem>>, vector<16xf32>,
    %broadcast_in_dim3A_82 = arith.constant 0.000000e+00 : f32
    %broadcast_in_dim3A_83 = vector.broadcast %broadcast_in_dim3A_82 : f32 to vector<16xf32>
    %swap3A_84 = arith.constant 208 : index
    %swap3A_85 = tpu.vector_load %arg7[%swap3A_84] {strides = array<i32>} : memref<640xf32, #tpu.memory_space<vmem>>, vector<16xf32>,
    tpu.vector_store %arg7[%swap3A_84], %broadcast_in_dim3A_83 {strides = array<i32>} : memref<640xf32, #tpu.memory_space<vmem>>, vector<16xf32>,
    %broadcast_in_dim3A_86 = arith.constant 0.000000e+00 : f32
    %broadcast_in_dim3A_87 = vector.broadcast %broadcast_in_dim3A_86 : f32 to vector<16xf32>
    %swap3A_88 = arith.constant 224 : index
    %swap3A_89 = tpu.vector_load %arg7[%swap3A_88] {strides = array<i32>} : memref<640xf32, #tpu.memory_space<vmem>>, vector<16xf32>,
    tpu.vector_store %arg7[%swap3A_88], %broadcast_in_dim3A_87 {strides = array<i32>} : memref<640xf32, #tpu.memory_space<vmem>>, vector<16xf32>,
    %broadcast_in_dim3A_90 = arith.constant 0.000000e+00 : f32
    %broadcast_in_dim3A_91 = vector.broadcast %broadcast_in_dim3A_90 : f32 to vector<16xf32>
    %swap3A_92 = arith.constant 240 : index
    %swap3A_93 = tpu.vector_load %arg7[%swap3A_92] {strides = array<i32>} : memref<640xf32, #tpu.memory_space<vmem>>, vector<16xf32>,
    tpu.vector_store %arg7[%swap3A_92], %broadcast_in_dim3A_91 {strides = array<i32>} : memref<640xf32, #tpu.memory_space<vmem>>, vector<16xf32>,
    %broadcast_in_dim3A_94 = arith.constant 0.000000e+00 : f32
    %broadcast_in_dim3A_95 = vector.broadcast %broadcast_in_dim3A_94 : f32 to vector<16xf32>
    %swap3A_96 = arith.constant 256 : index
    %swap3A_97 = tpu.vector_load %arg7[%swap3A_96] {strides = array<i32>} : memref<640xf32, #tpu.memory_space<vmem>>, vector<16xf32>,
    tpu.vector_store %arg7[%swap3A_96], %broadcast_in_dim3A_95 {strides = array<i32>} : memref<640xf32, #tpu.memory_space<vmem>>, vector<16xf32>,
    %broadcast_in_dim3A_98 = arith.constant 0.000000e+00 : f32
    %broadcast_in_dim3A_99 = vector.broadcast %broadcast_in_dim3A_98 : f32 to vector<16xf32>
    %swap3A_100 = arith.constant 272 : index
    %swap3A_101 = tpu.vector_load %arg7[%swap3A_100] {strides = array<i32>} : memref<640xf32, #tpu.memory_space<vmem>>, vector<16xf32>,
    tpu.vector_store %arg7[%swap3A_100], %broadcast_in_dim3A_99 {strides = array<i32>} : memref<640xf32, #tpu.memory_space<vmem>>, vector<16xf32>,
    %broadcast_in_dim3A_102 = arith.constant 0.000000e+00 : f32
    %broadcast_in_dim3A_103 = vector.broadcast %broadcast_in_dim3A_102 : f32 to vector<16xf32>
    %swap3A_104 = arith.constant 288 : index
    %swap3A_105 = tpu.vector_load %arg7[%swap3A_104] {strides = array<i32>} : memref<640xf32, #tpu.memory_space<vmem>>, vector<16xf32>,
    tpu.vector_store %arg7[%swap3A_104], %broadcast_in_dim3A_103 {strides = array<i32>} : memref<640xf32, #tpu.memory_space<vmem>>, vector<16xf32>,
    %broadcast_in_dim3A_106 = arith.constant 0.000000e+00 : f32
    %broadcast_in_dim3A_107 = vector.broadcast %broadcast_in_dim3A_106 : f32 to vector<16xf32>
    %swap3A_108 = arith.constant 304 : index
    %swap3A_109 = tpu.vector_load %arg7[%swap3A_108] {strides = array<i32>} : memref<640xf32, #tpu.memory_space<vmem>>, vector<16xf32>,
    tpu.vector_store %arg7[%swap3A_108], %broadcast_in_dim3A_107 {strides = array<i32>} : memref<640xf32, #tpu.memory_space<vmem>>, vector<16xf32>,
    %broadcast_in_dim3A_110 = arith.constant 0.000000e+00 : f32
    %broadcast_in_dim3A_111 = vector.broadcast %broadcast_in_dim3A_110 : f32 to vector<16xf32>
    %swap3A_112 = arith.constant 320 : index
    %swap3A_113 = tpu.vector_load %arg7[%swap3A_112] {strides = array<i32>} : memref<640xf32, #tpu.memory_space<vmem>>, vector<16xf32>,
    tpu.vector_store %arg7[%swap3A_112], %broadcast_in_dim3A_111 {strides = array<i32>} : memref<640xf32, #tpu.memory_space<vmem>>, vector<16xf32>,
    %broadcast_in_dim3A_114 = arith.constant 0.000000e+00 : f32
    %broadcast_in_dim3A_115 = vector.broadcast %broadcast_in_dim3A_114 : f32 to vector<16xf32>
    %swap3A_116 = arith.constant 336 : index
    %swap3A_117 = tpu.vector_load %arg7[%swap3A_116] {strides = array<i32>} : memref<640xf32, #tpu.memory_space<vmem>>, vector<16xf32>,
    tpu.vector_store %arg7[%swap3A_116], %broadcast_in_dim3A_115 {strides = array<i32>} : memref<640xf32, #tpu.memory_space<vmem>>, vector<16xf32>,
    %broadcast_in_dim3A_118 = arith.constant 0.000000e+00 : f32
    %broadcast_in_dim3A_119 = vector.broadcast %broadcast_in_dim3A_118 : f32 to vector<16xf32>
    %swap3A_120 = arith.constant 352 : index
    %swap3A_121 = tpu.vector_load %arg7[%swap3A_120] {strides = array<i32>} : memref<640xf32, #tpu.memory_space<vmem>>, vector<16xf32>,
    tpu.vector_store %arg7[%swap3A_120], %broadcast_in_dim3A_119 {strides = array<i32>} : memref<640xf32, #tpu.memory_space<vmem>>, vector<16xf32>,
    %broadcast_in_dim3A_122 = arith.constant 0.000000e+00 : f32
    %broadcast_in_dim3A_123 = vector.broadcast %broadcast_in_dim3A_122 : f32 to vector<16xf32>
    %swap3A_124 = arith.constant 368 : index
    %swap3A_125 = tpu.vector_load %arg7[%swap3A_124] {strides = array<i32>} : memref<640xf32, #tpu.memory_space<vmem>>, vector<16xf32>,
    tpu.vector_store %arg7[%swap3A_124], %broadcast_in_dim3A_123 {strides = array<i32>} : memref<640xf32, #tpu.memory_space<vmem>>, vector<16xf32>,
    %broadcast_in_dim3A_126 = arith.constant 0.000000e+00 : f32
    %broadcast_in_dim3A_127 = vector.broadcast %broadcast_in_dim3A_126 : f32 to vector<16xf32>
    %swap3A_128 = arith.constant 384 : index
    %swap3A_129 = tpu.vector_load %arg7[%swap3A_128] {strides = array<i32>} : memref<640xf32, #tpu.memory_space<vmem>>, vector<16xf32>,
    tpu.vector_store %arg7[%swap3A_128], %broadcast_in_dim3A_127 {strides = array<i32>} : memref<640xf32, #tpu.memory_space<vmem>>, vector<16xf32>,
    %broadcast_in_dim3A_130 = arith.constant 0.000000e+00 : f32
    %broadcast_in_dim3A_131 = vector.broadcast %broadcast_in_dim3A_130 : f32 to vector<16xf32>
    %swap3A_132 = arith.constant 400 : index
    %swap3A_133 = tpu.vector_load %arg7[%swap3A_132] {strides = array<i32>} : memref<640xf32, #tpu.memory_space<vmem>>, vector<16xf32>,
    tpu.vector_store %arg7[%swap3A_132], %broadcast_in_dim3A_131 {strides = array<i32>} : memref<640xf32, #tpu.memory_space<vmem>>, vector<16xf32>,
    %broadcast_in_dim3A_134 = arith.constant 0.000000e+00 : f32
    %broadcast_in_dim3A_135 = vector.broadcast %broadcast_in_dim3A_134 : f32 to vector<16xf32>
    %swap3A_136 = arith.constant 416 : index
    %swap3A_137 = tpu.vector_load %arg7[%swap3A_136] {strides = array<i32>} : memref<640xf32, #tpu.memory_space<vmem>>, vector<16xf32>,
    tpu.vector_store %arg7[%swap3A_136], %broadcast_in_dim3A_135 {strides = array<i32>} : memref<640xf32, #tpu.memory_space<vmem>>, vector<16xf32>,
    %broadcast_in_dim3A_138 = arith.constant 0.000000e+00 : f32
    %broadcast_in_dim3A_139 = vector.broadcast %broadcast_in_dim3A_138 : f32 to vector<16xf32>
    %swap3A_140 = arith.constant 432 : index
    %swap3A_141 = tpu.vector_load %arg7[%swap3A_140] {strides = array<i32>} : memref<640xf32, #tpu.memory_space<vmem>>, vector<16xf32>,
    tpu.vector_store %arg7[%swap3A_140], %broadcast_in_dim3A_139 {strides = array<i32>} : memref<640xf32, #tpu.memory_space<vmem>>, vector<16xf32>,
    %broadcast_in_dim3A_142 = arith.constant 0.000000e+00 : f32
    %broadcast_in_dim3A_143 = vector.broadcast %broadcast_in_dim3A_142 : f32 to vector<16xf32>
    %swap3A_144 = arith.constant 448 : index
    %swap3A_145 = tpu.vector_load %arg7[%swap3A_144] {strides = array<i32>} : memref<640xf32, #tpu.memory_space<vmem>>, vector<16xf32>,
    tpu.vector_store %arg7[%swap3A_144], %broadcast_in_dim3A_143 {strides = array<i32>} : memref<640xf32, #tpu.memory_space<vmem>>, vector<16xf32>,
    %broadcast_in_dim3A_146 = arith.constant 0.000000e+00 : f32
    %broadcast_in_dim3A_147 = vector.broadcast %broadcast_in_dim3A_146 : f32 to vector<16xf32>
    %swap3A_148 = arith.constant 464 : index
    %swap3A_149 = tpu.vector_load %arg7[%swap3A_148] {strides = array<i32>} : memref<640xf32, #tpu.memory_space<vmem>>, vector<16xf32>,
    tpu.vector_store %arg7[%swap3A_148], %broadcast_in_dim3A_147 {strides = array<i32>} : memref<640xf32, #tpu.memory_space<vmem>>, vector<16xf32>,
    %broadcast_in_dim3A_150 = arith.constant 0.000000e+00 : f32
    %broadcast_in_dim3A_151 = vector.broadcast %broadcast_in_dim3A_150 : f32 to vector<16xf32>
    %swap3A_152 = arith.constant 480 : index
    %swap3A_153 = tpu.vector_load %arg7[%swap3A_152] {strides = array<i32>} : memref<640xf32, #tpu.memory_space<vmem>>, vector<16xf32>,
    tpu.vector_store %arg7[%swap3A_152], %broadcast_in_dim3A_151 {strides = array<i32>} : memref<640xf32, #tpu.memory_space<vmem>>, vector<16xf32>,
    %broadcast_in_dim3A_154 = arith.constant 0.000000e+00 : f32
    %broadcast_in_dim3A_155 = vector.broadcast %broadcast_in_dim3A_154 : f32 to vector<16xf32>
    %swap3A_156 = arith.constant 496 : index
    %swap3A_157 = tpu.vector_load %arg7[%swap3A_156] {strides = array<i32>} : memref<640xf32, #tpu.memory_space<vmem>>, vector<16xf32>,
    tpu.vector_store %arg7[%swap3A_156], %broadcast_in_dim3A_155 {strides = array<i32>} : memref<640xf32, #tpu.memory_space<vmem>>, vector<16xf32>,
    %broadcast_in_dim3A_158 = arith.constant 0.000000e+00 : f32
    %broadcast_in_dim3A_159 = vector.broadcast %broadcast_in_dim3A_158 : f32 to vector<16xf32>
    %swap3A_160 = arith.constant 512 : index
    %swap3A_161 = tpu.vector_load %arg7[%swap3A_160] {strides = array<i32>} : memref<640xf32, #tpu.memory_space<vmem>>, vector<16xf32>,
    tpu.vector_store %arg7[%swap3A_160], %broadcast_in_dim3A_159 {strides = array<i32>} : memref<640xf32, #tpu.memory_space<vmem>>, vector<16xf32>,
    %broadcast_in_dim3A_162 = arith.constant 0.000000e+00 : f32
    %broadcast_in_dim3A_163 = vector.broadcast %broadcast_in_dim3A_162 : f32 to vector<16xf32>
    %swap3A_164 = arith.constant 528 : index
    %swap3A_165 = tpu.vector_load %arg7[%swap3A_164] {strides = array<i32>} : memref<640xf32, #tpu.memory_space<vmem>>, vector<16xf32>,
    tpu.vector_store %arg7[%swap3A_164], %broadcast_in_dim3A_163 {strides = array<i32>} : memref<640xf32, #tpu.memory_space<vmem>>, vector<16xf32>,
    %broadcast_in_dim3A_166 = arith.constant 0.000000e+00 : f32
    %broadcast_in_dim3A_167 = vector.broadcast %broadcast_in_dim3A_166 : f32 to vector<16xf32>
    %swap3A_168 = arith.constant 544 : index
    %swap3A_169 = tpu.vector_load %arg7[%swap3A_168] {strides = array<i32>} : memref<640xf32, #tpu.memory_space<vmem>>, vector<16xf32>,
    tpu.vector_store %arg7[%swap3A_168], %broadcast_in_dim3A_167 {strides = array<i32>} : memref<640xf32, #tpu.memory_space<vmem>>, vector<16xf32>,
    %broadcast_in_dim3A_170 = arith.constant 0.000000e+00 : f32
    %broadcast_in_dim3A_171 = vector.broadcast %broadcast_in_dim3A_170 : f32 to vector<16xf32>
    %swap3A_172 = arith.constant 560 : index
    %swap3A_173 = tpu.vector_load %arg7[%swap3A_172] {strides = array<i32>} : memref<640xf32, #tpu.memory_space<vmem>>, vector<16xf32>,
    tpu.vector_store %arg7[%swap3A_172], %broadcast_in_dim3A_171 {strides = array<i32>} : memref<640xf32, #tpu.memory_space<vmem>>, vector<16xf32>,
    %broadcast_in_dim3A_174 = arith.constant 0.000000e+00 : f32
    %broadcast_in_dim3A_175 = vector.broadcast %broadcast_in_dim3A_174 : f32 to vector<16xf32>
    %swap3A_176 = arith.constant 576 : index
    %swap3A_177 = tpu.vector_load %arg7[%swap3A_176] {strides = array<i32>} : memref<640xf32, #tpu.memory_space<vmem>>, vector<16xf32>,
    tpu.vector_store %arg7[%swap3A_176], %broadcast_in_dim3A_175 {strides = array<i32>} : memref<640xf32, #tpu.memory_space<vmem>>, vector<16xf32>,
    %broadcast_in_dim3A_178 = arith.constant 0.000000e+00 : f32
    %broadcast_in_dim3A_179 = vector.broadcast %broadcast_in_dim3A_178 : f32 to vector<16xf32>
    %swap3A_180 = arith.constant 592 : index
    %swap3A_181 = tpu.vector_load %arg7[%swap3A_180] {strides = array<i32>} : memref<640xf32, #tpu.memory_space<vmem>>, vector<16xf32>,
    tpu.vector_store %arg7[%swap3A_180], %broadcast_in_dim3A_179 {strides = array<i32>} : memref<640xf32, #tpu.memory_space<vmem>>, vector<16xf32>,
    %broadcast_in_dim3A_182 = arith.constant 0.000000e+00 : f32
    %broadcast_in_dim3A_183 = vector.broadcast %broadcast_in_dim3A_182 : f32 to vector<16xf32>
    %swap3A_184 = arith.constant 608 : index
    %swap3A_185 = tpu.vector_load %arg7[%swap3A_184] {strides = array<i32>} : memref<640xf32, #tpu.memory_space<vmem>>, vector<16xf32>,
    tpu.vector_store %arg7[%swap3A_184], %broadcast_in_dim3A_183 {strides = array<i32>} : memref<640xf32, #tpu.memory_space<vmem>>, vector<16xf32>,
    %broadcast_in_dim3A_186 = arith.constant 0.000000e+00 : f32
    %broadcast_in_dim3A_187 = vector.broadcast %broadcast_in_dim3A_186 : f32 to vector<16xf32>
    %swap3A_188 = arith.constant 624 : index
    %swap3A_189 = tpu.vector_load %arg7[%swap3A_188] {strides = array<i32>} : memref<640xf32, #tpu.memory_space<vmem>>, vector<16xf32>,
    tpu.vector_store %arg7[%swap3A_188], %broadcast_in_dim3A_187 {strides = array<i32>} : memref<640xf32, #tpu.memory_space<vmem>>, vector<16xf32>,
    %mul3A = arith.constant 640 : i32
    %mul3A_190 = arith.muli %arg1, %mul3A : i32
    "tpu.region"() ({
      %run_scoped3A = tpu.sem_alloc : memref<!tpu.dma_semaphore, #tpu.memory_space<semaphore_mem>>
      %dma_start3A = tpu.memref_slice %arg4[%mul3A_190] : memref<10240xf32, #tpu.memory_space<vmem_shared>> -> memref<640xf32, #tpu.memory_space<vmem_shared>>
      %dma_start3A_201 = tpu.memref_slice %arg4[%mul3A_190] : memref<10240xf32, #tpu.memory_space<vmem_shared>> -> memref<640xf32, #tpu.memory_space<vmem_shared>>
      tpu.enqueue_dma source(%arg7 : memref<640xf32, #tpu.memory_space<vmem>>) target(%dma_start3A_201 : memref<640xf32, #tpu.memory_space<vmem_shared>>) target_semaphore(%run_scoped3A : memref<!tpu.dma_semaphore, #tpu.memory_space<semaphore_mem>>)
      %dma_wait3A = tpu.memref_slice %arg4[%mul3A_190] : memref<10240xf32, #tpu.memory_space<vmem_shared>> -> memref<640xf32, #tpu.memory_space<vmem_shared>>
      %dma_wait3A_202 = tpu.memref_slice %arg4[%mul3A_190] : memref<10240xf32, #tpu.memory_space<vmem_shared>> -> memref<640xf32, #tpu.memory_space<vmem_shared>>
      tpu.wait_dma2 semaphore(%run_scoped3A : memref<!tpu.dma_semaphore, #tpu.memory_space<semaphore_mem>>) src(%arg7 : memref<640xf32, #tpu.memory_space<vmem>>) dst(%dma_wait3A_202 : memref<640xf32, #tpu.memory_space<vmem_shared>>)
      tpu.yield
    }) : () -> ()
    "tpu.region"() ({
      %run_scoped3A = tpu.sem_alloc : memref<!tpu.dma_semaphore, #tpu.memory_space<semaphore_mem>>
      %dma_start3A = arith.constant 0 : i32
      %dma_start3A_201 = arith.constant 0 : i32
      %dma_start3A_202 = tpu.memref_slice %arg2[%arg0, %arg1, %dma_start3A, %dma_start3A_201] : memref<2x16x160x128xi32, #tpu.memory_space<hbm>> -> memref<1x1x160x128xi32, #tpu.memory_space<hbm>>
      %dma_start3A_203 = tpu.memref_squeeze %dma_start3A_202 : memref<1x1x160x128xi32, #tpu.memory_space<hbm>> -> memref<160x128xi32, #tpu.memory_space<hbm>>
      %dma_start3A_204 = arith.constant 0 : i32
      %dma_start3A_205 = arith.constant 0 : i32
      %dma_start3A_206 = tpu.memref_slice %arg2[%arg0, %arg1, %dma_start3A_204, %dma_start3A_205] : memref<2x16x160x128xi32, #tpu.memory_space<hbm>> -> memref<1x1x160x128xi32, #tpu.memory_space<hbm>>
      %dma_start3A_207 = tpu.memref_squeeze %dma_start3A_206 : memref<1x1x160x128xi32, #tpu.memory_space<hbm>> -> memref<160x128xi32, #tpu.memory_space<hbm>>
      tpu.enqueue_dma source(%dma_start3A_207 : memref<160x128xi32, #tpu.memory_space<hbm>>) target(%arg5 : memref<160x128xi32, #tpu.memory_space<vmem>>) target_semaphore(%run_scoped3A : memref<!tpu.dma_semaphore, #tpu.memory_space<semaphore_mem>>)
      %dma_wait3A = arith.constant 0 : i32
      %dma_wait3A_208 = arith.constant 0 : i32
      %dma_wait3A_209 = tpu.memref_slice %arg2[%arg0, %arg1, %dma_wait3A, %dma_wait3A_208] : memref<2x16x160x128xi32, #tpu.memory_space<hbm>> -> memref<1x1x160x128xi32, #tpu.memory_space<hbm>>
      %dma_wait3A_210 = tpu.memref_squeeze %dma_wait3A_209 : memref<1x1x160x128xi32, #tpu.memory_space<hbm>> -> memref<160x128xi32, #tpu.memory_space<hbm>>
      %dma_wait3A_211 = arith.constant 0 : i32
      %dma_wait3A_212 = arith.constant 0 : i32
      %dma_wait3A_213 = tpu.memref_slice %arg2[%arg0, %arg1, %dma_wait3A_211, %dma_wait3A_212] : memref<2x16x160x128xi32, #tpu.memory_space<hbm>> -> memref<1x1x160x128xi32, #tpu.memory_space<hbm>>
      %dma_wait3A_214 = tpu.memref_squeeze %dma_wait3A_213 : memref<1x1x160x128xi32, #tpu.memory_space<hbm>> -> memref<160x128xi32, #tpu.memory_space<hbm>>
      tpu.wait_dma2 semaphore(%run_scoped3A : memref<!tpu.dma_semaphore, #tpu.memory_space<semaphore_mem>>) src(%dma_wait3A_214 : memref<160x128xi32, #tpu.memory_space<hbm>>) dst(%arg5 : memref<160x128xi32, #tpu.memory_space<vmem>>)
      tpu.yield
    }) : () -> ()
    %barrier3A = arith.constant 0 : index
    tpu.barrier barrier_id(%barrier3A)
    %scan3A = arith.constant 0 : i32
    %scan3A_191 = arith.constant 0 : i32
    %scan3A_192 = arith.constant 160 : i32
    %scan3A_193 = arith.addi %scan3A_191, %scan3A_192 : i32
    %scan3A_194 = arith.constant 1 : i32
    scf.for %scan3A_201 = %scan3A_191 to %scan3A_193 step %scan3A_194  : i32 {
      "tpu.region"() ({
        %run_scoped3A = tpu.sem_alloc : memref<!tpu.dma_semaphore, #tpu.memory_space<semaphore_mem>>
        %dma_start3A = arith.constant 0 : i32
        %dma_start3A_202 = tpu.memref_slice %arg5[%scan3A_201, %dma_start3A] : memref<160x128xi32, #tpu.memory_space<vmem>> -> memref<1x128xi32, #tpu.memory_space<vmem>>
        %dma_start3A_203 = tpu.memref_squeeze %dma_start3A_202 : memref<1x128xi32, #tpu.memory_space<vmem>> -> memref<128xi32, #tpu.memory_space<vmem>>
        %dma_start3A_204 = arith.constant 0 : i32
        %dma_start3A_205 = tpu.memref_slice %arg4[%dma_start3A_204] : memref<10240xf32, #tpu.memory_space<vmem_shared>> -> memref<10240xf32, #tpu.memory_space<vmem_shared>>
        tpu.enqueue_indirect_dma source(%arg6 : memref<128xf32, #tpu.memory_space<vmem>>) target(%dma_start3A_205 : memref<10240xf32, #tpu.memory_space<vmem_shared>>) offsets(%dma_start3A_203 : memref<128xi32, #tpu.memory_space<vmem>>) semaphore(%run_scoped3A : memref<!tpu.dma_semaphore, #tpu.memory_space<semaphore_mem>>) {add = true}
        %dma_wait3A = arith.constant 0 : i32
        %dma_wait3A_206 = tpu.memref_slice %arg5[%scan3A_201, %dma_wait3A] : memref<160x128xi32, #tpu.memory_space<vmem>> -> memref<1x128xi32, #tpu.memory_space<vmem>>
        %dma_wait3A_207 = tpu.memref_squeeze %dma_wait3A_206 : memref<1x128xi32, #tpu.memory_space<vmem>> -> memref<128xi32, #tpu.memory_space<vmem>>
        %dma_wait3A_208 = arith.constant 0 : i32
        %dma_wait3A_209 = tpu.memref_slice %arg4[%dma_wait3A_208] : memref<10240xf32, #tpu.memory_space<vmem_shared>> -> memref<10240xf32, #tpu.memory_space<vmem_shared>>
        tpu.wait_indirect_dma semaphore(%run_scoped3A : memref<!tpu.dma_semaphore, #tpu.memory_space<semaphore_mem>>) src(%arg6 : memref<128xf32, #tpu.memory_space<vmem>>) dst(%dma_wait3A_209 : memref<10240xf32, #tpu.memory_space<vmem_shared>>)
        tpu.yield
      }) : () -> ()
    }
    %scan3A_195 = arith.constant 160 : i32
    %barrier3A_196 = arith.constant 0 : index
    tpu.barrier barrier_id(%barrier3A_196)
    %mul3A_197 = arith.constant 640 : i32
    %mul3A_198 = arith.muli %arg1, %mul3A_197 : i32
    %mul3A_199 = arith.constant 640 : i32
    %mul3A_200 = arith.muli %arg1, %mul3A_199 : i32
    "tpu.region"() ({
      %run_scoped3A = tpu.sem_alloc : memref<!tpu.dma_semaphore, #tpu.memory_space<semaphore_mem>>
      %dma_start3A = tpu.memref_slice %arg3[%arg0, %mul3A_200] : memref<2x10240xf32, #tpu.memory_space<hbm>> -> memref<1x640xf32, #tpu.memory_space<hbm>>
      %dma_start3A_201 = tpu.memref_squeeze %dma_start3A : memref<1x640xf32, #tpu.memory_space<hbm>> -> memref<640xf32, #tpu.memory_space<hbm>>
      %dma_start3A_202 = tpu.memref_slice %arg4[%mul3A_198] : memref<10240xf32, #tpu.memory_space<vmem_shared>> -> memref<640xf32, #tpu.memory_space<vmem_shared>>
      tpu.enqueue_dma source(%dma_start3A_202 : memref<640xf32, #tpu.memory_space<vmem_shared>>) target(%dma_start3A_201 : memref<640xf32, #tpu.memory_space<hbm>>) target_semaphore(%run_scoped3A : memref<!tpu.dma_semaphore, #tpu.memory_space<semaphore_mem>>)
      %dma_wait3A = tpu.memref_slice %arg3[%arg0, %mul3A_200] : memref<2x10240xf32, #tpu.memory_space<hbm>> -> memref<1x640xf32, #tpu.memory_space<hbm>>
      %dma_wait3A_203 = tpu.memref_squeeze %dma_wait3A : memref<1x640xf32, #tpu.memory_space<hbm>> -> memref<640xf32, #tpu.memory_space<hbm>>
      %dma_wait3A_204 = tpu.memref_slice %arg4[%mul3A_198] : memref<10240xf32, #tpu.memory_space<vmem_shared>> -> memref<640xf32, #tpu.memory_space<vmem_shared>>
      tpu.wait_dma2 semaphore(%run_scoped3A : memref<!tpu.dma_semaphore, #tpu.memory_space<semaphore_mem>>) src(%dma_wait3A_204 : memref<640xf32, #tpu.memory_space<vmem_shared>>) dst(%dma_wait3A_203 : memref<640xf32, #tpu.memory_space<hbm>>)
      tpu.yield
    }) : () -> ()
    return
  }
}

#map = affine_map<(d0, d1) -> (0, 0)>
#map1 = affine_map<(d0, d1) -> (0)>
module attributes {stable_mosaic.version = 14 : i64} {
  func.func @_hist_kernel(%arg0: i32, %arg1: i32, %arg2: memref<32x10240xi32, #tpu.memory_space<hbm>>, %arg3: memref<32x10240xi32, #tpu.memory_space<hbm>>, %arg4: memref<10240xi32, #tpu.memory_space<hbm>>, %arg5: memref<10240xf32, #tpu.memory_space<hbm>>, %arg6: memref<40960xf32, #tpu.memory_space<hbm>>, %arg7: memref<2x655360xf32, #tpu.memory_space<hbm>>, %arg8: memref<655360xf32, #tpu.memory_space<vmem_shared>>, %arg9: memref<10240xi32, #tpu.memory_space<vmem>>, %arg10: memref<10240xf32, #tpu.memory_space<vmem>>, %arg11: memref<10240xi32, #tpu.memory_space<vmem>>, %arg12: memref<10240xi32, #tpu.memory_space<vmem>>, %arg13: memref<80x128xi32, #tpu.memory_space<vmem>>, %arg14: memref<10240xf32, #tpu.memory_space<vmem>>) attributes {dimension_semantics = [#tpu.dimension_semantics<core_parallel>, #tpu.dimension_semantics<subcore_parallel>], iteration_bounds = array<i64: 2, 16>, scalar_prefetch = 0 : i64, scratch_operands = 7 : i64, tpu.core_type = #tpu.core_type<sc_vector_subcore>, window_params = [{transform_indices = #map}, {transform_indices = #map}, {transform_indices = #map1}, {transform_indices = #map1}, {transform_indices = #map1}, {transform_indices = #map}]} {
    %mul3A = arith.constant 16 : i32
    %mul3A_0 = arith.muli %arg0, %mul3A : i32
    %add3A = arith.addi %mul3A_0, %arg1 : i32
    %mul3A_1 = arith.constant 40960 : i32
    %mul3A_2 = arith.muli %arg1, %mul3A_1 : i32
    "tpu.region"() ({
      %run_scoped3A = tpu.sem_alloc : memref<!tpu.dma_semaphore, #tpu.memory_space<semaphore_mem>>
      %dma_start3A = tpu.memref_slice %arg8[%mul3A_2] : memref<655360xf32, #tpu.memory_space<vmem_shared>> -> memref<40960xf32, #tpu.memory_space<vmem_shared>>
      tpu.enqueue_dma source(%arg6 : memref<40960xf32, #tpu.memory_space<hbm>>) target(%dma_start3A : memref<40960xf32, #tpu.memory_space<vmem_shared>>) target_semaphore(%run_scoped3A : memref<!tpu.dma_semaphore, #tpu.memory_space<semaphore_mem>>)
      %dma_wait3A = tpu.memref_slice %arg8[%mul3A_2] : memref<655360xf32, #tpu.memory_space<vmem_shared>> -> memref<40960xf32, #tpu.memory_space<vmem_shared>>
      tpu.wait_dma2 semaphore(%run_scoped3A : memref<!tpu.dma_semaphore, #tpu.memory_space<semaphore_mem>>) src(%arg6 : memref<40960xf32, #tpu.memory_space<hbm>>) dst(%dma_wait3A : memref<40960xf32, #tpu.memory_space<vmem_shared>>)
      tpu.yield
    }) : () -> ()
    "tpu.region"() ({
      %run_scoped3A = tpu.sem_alloc : memref<!tpu.dma_semaphore, #tpu.memory_space<semaphore_mem>>
      tpu.enqueue_dma source(%arg4 : memref<10240xi32, #tpu.memory_space<hbm>>) target(%arg9 : memref<10240xi32, #tpu.memory_space<vmem>>) target_semaphore(%run_scoped3A : memref<!tpu.dma_semaphore, #tpu.memory_space<semaphore_mem>>)
      tpu.wait_dma2 semaphore(%run_scoped3A : memref<!tpu.dma_semaphore, #tpu.memory_space<semaphore_mem>>) src(%arg4 : memref<10240xi32, #tpu.memory_space<hbm>>) dst(%arg9 : memref<10240xi32, #tpu.memory_space<vmem>>)
      tpu.yield
    }) : () -> ()
    "tpu.region"() ({
      %run_scoped3A = tpu.sem_alloc : memref<!tpu.dma_semaphore, #tpu.memory_space<semaphore_mem>>
      tpu.enqueue_dma source(%arg5 : memref<10240xf32, #tpu.memory_space<hbm>>) target(%arg10 : memref<10240xf32, #tpu.memory_space<vmem>>) target_semaphore(%run_scoped3A : memref<!tpu.dma_semaphore, #tpu.memory_space<semaphore_mem>>)
      tpu.wait_dma2 semaphore(%run_scoped3A : memref<!tpu.dma_semaphore, #tpu.memory_space<semaphore_mem>>) src(%arg5 : memref<10240xf32, #tpu.memory_space<hbm>>) dst(%arg10 : memref<10240xf32, #tpu.memory_space<vmem>>)
      tpu.yield
    }) : () -> ()
    "tpu.region"() ({
      %run_scoped3A = tpu.sem_alloc : memref<!tpu.dma_semaphore, #tpu.memory_space<semaphore_mem>>
      %dma_start3A = arith.constant 0 : i32
      %dma_start3A_13 = tpu.memref_slice %arg2[%add3A, %dma_start3A] : memref<32x10240xi32, #tpu.memory_space<hbm>> -> memref<1x10240xi32, #tpu.memory_space<hbm>>
      %dma_start3A_14 = tpu.memref_squeeze %dma_start3A_13 : memref<1x10240xi32, #tpu.memory_space<hbm>> -> memref<10240xi32, #tpu.memory_space<hbm>>
      %dma_start3A_15 = arith.constant 0 : i32
      %dma_start3A_16 = tpu.memref_slice %arg2[%add3A, %dma_start3A_15] : memref<32x10240xi32, #tpu.memory_space<hbm>> -> memref<1x10240xi32, #tpu.memory_space<hbm>>
      %dma_start3A_17 = tpu.memref_squeeze %dma_start3A_16 : memref<1x10240xi32, #tpu.memory_space<hbm>> -> memref<10240xi32, #tpu.memory_space<hbm>>
      tpu.enqueue_dma source(%dma_start3A_17 : memref<10240xi32, #tpu.memory_space<hbm>>) target(%arg11 : memref<10240xi32, #tpu.memory_space<vmem>>) target_semaphore(%run_scoped3A : memref<!tpu.dma_semaphore, #tpu.memory_space<semaphore_mem>>)
      %dma_wait3A = arith.constant 0 : i32
      %dma_wait3A_18 = tpu.memref_slice %arg2[%add3A, %dma_wait3A] : memref<32x10240xi32, #tpu.memory_space<hbm>> -> memref<1x10240xi32, #tpu.memory_space<hbm>>
      %dma_wait3A_19 = tpu.memref_squeeze %dma_wait3A_18 : memref<1x10240xi32, #tpu.memory_space<hbm>> -> memref<10240xi32, #tpu.memory_space<hbm>>
      %dma_wait3A_20 = arith.constant 0 : i32
      %dma_wait3A_21 = tpu.memref_slice %arg2[%add3A, %dma_wait3A_20] : memref<32x10240xi32, #tpu.memory_space<hbm>> -> memref<1x10240xi32, #tpu.memory_space<hbm>>
      %dma_wait3A_22 = tpu.memref_squeeze %dma_wait3A_21 : memref<1x10240xi32, #tpu.memory_space<hbm>> -> memref<10240xi32, #tpu.memory_space<hbm>>
      tpu.wait_dma2 semaphore(%run_scoped3A : memref<!tpu.dma_semaphore, #tpu.memory_space<semaphore_mem>>) src(%dma_wait3A_22 : memref<10240xi32, #tpu.memory_space<hbm>>) dst(%arg11 : memref<10240xi32, #tpu.memory_space<vmem>>)
      tpu.yield
    }) : () -> ()
    "tpu.region"() ({
      %run_scoped3A = tpu.sem_alloc : memref<!tpu.dma_semaphore, #tpu.memory_space<semaphore_mem>>
      %dma_start3A = arith.constant 0 : i32
      %dma_start3A_13 = tpu.memref_slice %arg3[%add3A, %dma_start3A] : memref<32x10240xi32, #tpu.memory_space<hbm>> -> memref<1x10240xi32, #tpu.memory_space<hbm>>
      %dma_start3A_14 = tpu.memref_squeeze %dma_start3A_13 : memref<1x10240xi32, #tpu.memory_space<hbm>> -> memref<10240xi32, #tpu.memory_space<hbm>>
      %dma_start3A_15 = arith.constant 0 : i32
      %dma_start3A_16 = tpu.memref_slice %arg3[%add3A, %dma_start3A_15] : memref<32x10240xi32, #tpu.memory_space<hbm>> -> memref<1x10240xi32, #tpu.memory_space<hbm>>
      %dma_start3A_17 = tpu.memref_squeeze %dma_start3A_16 : memref<1x10240xi32, #tpu.memory_space<hbm>> -> memref<10240xi32, #tpu.memory_space<hbm>>
      tpu.enqueue_dma source(%dma_start3A_17 : memref<10240xi32, #tpu.memory_space<hbm>>) target(%arg12 : memref<10240xi32, #tpu.memory_space<vmem>>) target_semaphore(%run_scoped3A : memref<!tpu.dma_semaphore, #tpu.memory_space<semaphore_mem>>)
      %dma_wait3A = arith.constant 0 : i32
      %dma_wait3A_18 = tpu.memref_slice %arg3[%add3A, %dma_wait3A] : memref<32x10240xi32, #tpu.memory_space<hbm>> -> memref<1x10240xi32, #tpu.memory_space<hbm>>
      %dma_wait3A_19 = tpu.memref_squeeze %dma_wait3A_18 : memref<1x10240xi32, #tpu.memory_space<hbm>> -> memref<10240xi32, #tpu.memory_space<hbm>>
      %dma_wait3A_20 = arith.constant 0 : i32
      %dma_wait3A_21 = tpu.memref_slice %arg3[%add3A, %dma_wait3A_20] : memref<32x10240xi32, #tpu.memory_space<hbm>> -> memref<1x10240xi32, #tpu.memory_space<hbm>>
      %dma_wait3A_22 = tpu.memref_squeeze %dma_wait3A_21 : memref<1x10240xi32, #tpu.memory_space<hbm>> -> memref<10240xi32, #tpu.memory_space<hbm>>
      tpu.wait_dma2 semaphore(%run_scoped3A : memref<!tpu.dma_semaphore, #tpu.memory_space<semaphore_mem>>) src(%dma_wait3A_22 : memref<10240xi32, #tpu.memory_space<hbm>>) dst(%arg12 : memref<10240xi32, #tpu.memory_space<vmem>>)
      tpu.yield
    }) : () -> ()
    %barrier3A = arith.constant 0 : index
    tpu.barrier barrier_id(%barrier3A)
    %scan3A = arith.constant 0 : i32
    %scan3A_3 = arith.constant 0 : i32
    %scan3A_4 = arith.constant 80 : i32
    %scan3A_5 = arith.addi %scan3A_3, %scan3A_4 : i32
    %scan3A_6 = arith.constant 1 : i32
    scf.for %scan3A_13 = %scan3A_3 to %scan3A_5 step %scan3A_6  : i32 {
      %mul3A_14 = arith.constant 128 : i32
      %mul3A_15 = arith.muli %scan3A_13, %mul3A_14 : i32
      %add3A_16 = arith.constant 0 : i32
      %add3A_17 = arith.addi %mul3A_15, %add3A_16 : i32
      %get3A = arith.index_cast %add3A_17 : i32 to index
      %get3A_18 = tpu.vector_load %arg11[%get3A] {strides = array<i32>} : memref<10240xi32, #tpu.memory_space<vmem>>, vector<16xi32>,
      %mul3A_19 = arith.constant 128 : i32
      %mul3A_20 = arith.muli %scan3A_13, %mul3A_19 : i32
      %add3A_21 = arith.constant 0 : i32
      %add3A_22 = arith.addi %mul3A_20, %add3A_21 : i32
      %get3A_23 = arith.index_cast %add3A_22 : i32 to index
      %get3A_24 = tpu.vector_load %arg12[%get3A_23] {strides = array<i32>} : memref<10240xi32, #tpu.memory_space<vmem>>, vector<16xi32>,
      %gather3A = tpu.vector_load_idx %arg9[%get3A_18] : memref<10240xi32, #tpu.memory_space<vmem>>[vector<16xi32>], vector<16xi32>,
      %gather3A_25 = tpu.vector_load_idx %arg10[%get3A_18] : memref<10240xf32, #tpu.memory_space<vmem>>[vector<16xi32>], vector<16xf32>,
      %mul3A_26 = arith.constant 64 : i32
      %mul3A_27 = vector.broadcast %mul3A_26 : i32 to vector<16xi32>
      %mul3A_28 = arith.muli %get3A_24, %mul3A_27 : vector<16xi32>
      %add3A_29 = arith.addi %mul3A_28, %gather3A : vector<16xi32>
      %swap3A = arith.index_cast %scan3A_13 : i32 to index
      %swap3A_30 = arith.constant 0 : index
      %swap3A_31 = tpu.vector_load %arg13[%swap3A, %swap3A_30] {strides = array<i32>} : memref<80x128xi32, #tpu.memory_space<vmem>>, vector<16xi32>,
      tpu.vector_store %arg13[%swap3A, %swap3A_30], %add3A_29 {strides = array<i32>} : memref<80x128xi32, #tpu.memory_space<vmem>>, vector<16xi32>,
      %mul3A_32 = arith.constant 128 : i32
      %mul3A_33 = arith.muli %scan3A_13, %mul3A_32 : i32
      %add3A_34 = arith.constant 0 : i32
      %add3A_35 = arith.addi %mul3A_33, %add3A_34 : i32
      %swap3A_36 = arith.index_cast %add3A_35 : i32 to index
      %swap3A_37 = tpu.vector_load %arg14[%swap3A_36] {strides = array<i32>} : memref<10240xf32, #tpu.memory_space<vmem>>, vector<16xf32>,
      tpu.vector_store %arg14[%swap3A_36], %gather3A_25 {strides = array<i32>} : memref<10240xf32, #tpu.memory_space<vmem>>, vector<16xf32>,
      %mul3A_38 = arith.constant 128 : i32
      %mul3A_39 = arith.muli %scan3A_13, %mul3A_38 : i32
      %add3A_40 = arith.constant 16 : i32
      %add3A_41 = arith.addi %mul3A_39, %add3A_40 : i32
      %get3A_42 = arith.index_cast %add3A_41 : i32 to index
      %get3A_43 = tpu.vector_load %arg11[%get3A_42] {strides = array<i32>} : memref<10240xi32, #tpu.memory_space<vmem>>, vector<16xi32>,
      %mul3A_44 = arith.constant 128 : i32
      %mul3A_45 = arith.muli %scan3A_13, %mul3A_44 : i32
      %add3A_46 = arith.constant 16 : i32
      %add3A_47 = arith.addi %mul3A_45, %add3A_46 : i32
      %get3A_48 = arith.index_cast %add3A_47 : i32 to index
      %get3A_49 = tpu.vector_load %arg12[%get3A_48] {strides = array<i32>} : memref<10240xi32, #tpu.memory_space<vmem>>, vector<16xi32>,
      %gather3A_50 = tpu.vector_load_idx %arg9[%get3A_43] : memref<10240xi32, #tpu.memory_space<vmem>>[vector<16xi32>], vector<16xi32>,
      %gather3A_51 = tpu.vector_load_idx %arg10[%get3A_43] : memref<10240xf32, #tpu.memory_space<vmem>>[vector<16xi32>], vector<16xf32>,
      %mul3A_52 = arith.constant 64 : i32
      %mul3A_53 = vector.broadcast %mul3A_52 : i32 to vector<16xi32>
      %mul3A_54 = arith.muli %get3A_49, %mul3A_53 : vector<16xi32>
      %add3A_55 = arith.addi %mul3A_54, %gather3A_50 : vector<16xi32>
      %swap3A_56 = arith.index_cast %scan3A_13 : i32 to index
      %swap3A_57 = arith.constant 16 : index
      %swap3A_58 = tpu.vector_load %arg13[%swap3A_56, %swap3A_57] {strides = array<i32>} : memref<80x128xi32, #tpu.memory_space<vmem>>, vector<16xi32>,
      tpu.vector_store %arg13[%swap3A_56, %swap3A_57], %add3A_55 {strides = array<i32>} : memref<80x128xi32, #tpu.memory_space<vmem>>, vector<16xi32>,
      %mul3A_59 = arith.constant 128 : i32
      %mul3A_60 = arith.muli %scan3A_13, %mul3A_59 : i32
      %add3A_61 = arith.constant 16 : i32
      %add3A_62 = arith.addi %mul3A_60, %add3A_61 : i32
      %swap3A_63 = arith.index_cast %add3A_62 : i32 to index
      %swap3A_64 = tpu.vector_load %arg14[%swap3A_63] {strides = array<i32>} : memref<10240xf32, #tpu.memory_space<vmem>>, vector<16xf32>,
      tpu.vector_store %arg14[%swap3A_63], %gather3A_51 {strides = array<i32>} : memref<10240xf32, #tpu.memory_space<vmem>>, vector<16xf32>,
      %mul3A_65 = arith.constant 128 : i32
      %mul3A_66 = arith.muli %scan3A_13, %mul3A_65 : i32
      %add3A_67 = arith.constant 32 : i32
      %add3A_68 = arith.addi %mul3A_66, %add3A_67 : i32
      %get3A_69 = arith.index_cast %add3A_68 : i32 to index
      %get3A_70 = tpu.vector_load %arg11[%get3A_69] {strides = array<i32>} : memref<10240xi32, #tpu.memory_space<vmem>>, vector<16xi32>,
      %mul3A_71 = arith.constant 128 : i32
      %mul3A_72 = arith.muli %scan3A_13, %mul3A_71 : i32
      %add3A_73 = arith.constant 32 : i32
      %add3A_74 = arith.addi %mul3A_72, %add3A_73 : i32
      %get3A_75 = arith.index_cast %add3A_74 : i32 to index
      %get3A_76 = tpu.vector_load %arg12[%get3A_75] {strides = array<i32>} : memref<10240xi32, #tpu.memory_space<vmem>>, vector<16xi32>,
      %gather3A_77 = tpu.vector_load_idx %arg9[%get3A_70] : memref<10240xi32, #tpu.memory_space<vmem>>[vector<16xi32>], vector<16xi32>,
      %gather3A_78 = tpu.vector_load_idx %arg10[%get3A_70] : memref<10240xf32, #tpu.memory_space<vmem>>[vector<16xi32>], vector<16xf32>,
      %mul3A_79 = arith.constant 64 : i32
      %mul3A_80 = vector.broadcast %mul3A_79 : i32 to vector<16xi32>
      %mul3A_81 = arith.muli %get3A_76, %mul3A_80 : vector<16xi32>
      %add3A_82 = arith.addi %mul3A_81, %gather3A_77 : vector<16xi32>
      %swap3A_83 = arith.index_cast %scan3A_13 : i32 to index
      %swap3A_84 = arith.constant 32 : index
      %swap3A_85 = tpu.vector_load %arg13[%swap3A_83, %swap3A_84] {strides = array<i32>} : memref<80x128xi32, #tpu.memory_space<vmem>>, vector<16xi32>,
      tpu.vector_store %arg13[%swap3A_83, %swap3A_84], %add3A_82 {strides = array<i32>} : memref<80x128xi32, #tpu.memory_space<vmem>>, vector<16xi32>,
      %mul3A_86 = arith.constant 128 : i32
      %mul3A_87 = arith.muli %scan3A_13, %mul3A_86 : i32
      %add3A_88 = arith.constant 32 : i32
      %add3A_89 = arith.addi %mul3A_87, %add3A_88 : i32
      %swap3A_90 = arith.index_cast %add3A_89 : i32 to index
      %swap3A_91 = tpu.vector_load %arg14[%swap3A_90] {strides = array<i32>} : memref<10240xf32, #tpu.memory_space<vmem>>, vector<16xf32>,
      tpu.vector_store %arg14[%swap3A_90], %gather3A_78 {strides = array<i32>} : memref<10240xf32, #tpu.memory_space<vmem>>, vector<16xf32>,
      %mul3A_92 = arith.constant 128 : i32
      %mul3A_93 = arith.muli %scan3A_13, %mul3A_92 : i32
      %add3A_94 = arith.constant 48 : i32
      %add3A_95 = arith.addi %mul3A_93, %add3A_94 : i32
      %get3A_96 = arith.index_cast %add3A_95 : i32 to index
      %get3A_97 = tpu.vector_load %arg11[%get3A_96] {strides = array<i32>} : memref<10240xi32, #tpu.memory_space<vmem>>, vector<16xi32>,
      %mul3A_98 = arith.constant 128 : i32
      %mul3A_99 = arith.muli %scan3A_13, %mul3A_98 : i32
      %add3A_100 = arith.constant 48 : i32
      %add3A_101 = arith.addi %mul3A_99, %add3A_100 : i32
      %get3A_102 = arith.index_cast %add3A_101 : i32 to index
      %get3A_103 = tpu.vector_load %arg12[%get3A_102] {strides = array<i32>} : memref<10240xi32, #tpu.memory_space<vmem>>, vector<16xi32>,
      %gather3A_104 = tpu.vector_load_idx %arg9[%get3A_97] : memref<10240xi32, #tpu.memory_space<vmem>>[vector<16xi32>], vector<16xi32>,
      %gather3A_105 = tpu.vector_load_idx %arg10[%get3A_97] : memref<10240xf32, #tpu.memory_space<vmem>>[vector<16xi32>], vector<16xf32>,
      %mul3A_106 = arith.constant 64 : i32
      %mul3A_107 = vector.broadcast %mul3A_106 : i32 to vector<16xi32>
      %mul3A_108 = arith.muli %get3A_103, %mul3A_107 : vector<16xi32>
      %add3A_109 = arith.addi %mul3A_108, %gather3A_104 : vector<16xi32>
      %swap3A_110 = arith.index_cast %scan3A_13 : i32 to index
      %swap3A_111 = arith.constant 48 : index
      %swap3A_112 = tpu.vector_load %arg13[%swap3A_110, %swap3A_111] {strides = array<i32>} : memref<80x128xi32, #tpu.memory_space<vmem>>, vector<16xi32>,
      tpu.vector_store %arg13[%swap3A_110, %swap3A_111], %add3A_109 {strides = array<i32>} : memref<80x128xi32, #tpu.memory_space<vmem>>, vector<16xi32>,
      %mul3A_113 = arith.constant 128 : i32
      %mul3A_114 = arith.muli %scan3A_13, %mul3A_113 : i32
      %add3A_115 = arith.constant 48 : i32
      %add3A_116 = arith.addi %mul3A_114, %add3A_115 : i32
      %swap3A_117 = arith.index_cast %add3A_116 : i32 to index
      %swap3A_118 = tpu.vector_load %arg14[%swap3A_117] {strides = array<i32>} : memref<10240xf32, #tpu.memory_space<vmem>>, vector<16xf32>,
      tpu.vector_store %arg14[%swap3A_117], %gather3A_105 {strides = array<i32>} : memref<10240xf32, #tpu.memory_space<vmem>>, vector<16xf32>,
      %mul3A_119 = arith.constant 128 : i32
      %mul3A_120 = arith.muli %scan3A_13, %mul3A_119 : i32
      %add3A_121 = arith.constant 64 : i32
      %add3A_122 = arith.addi %mul3A_120, %add3A_121 : i32
      %get3A_123 = arith.index_cast %add3A_122 : i32 to index
      %get3A_124 = tpu.vector_load %arg11[%get3A_123] {strides = array<i32>} : memref<10240xi32, #tpu.memory_space<vmem>>, vector<16xi32>,
      %mul3A_125 = arith.constant 128 : i32
      %mul3A_126 = arith.muli %scan3A_13, %mul3A_125 : i32
      %add3A_127 = arith.constant 64 : i32
      %add3A_128 = arith.addi %mul3A_126, %add3A_127 : i32
      %get3A_129 = arith.index_cast %add3A_128 : i32 to index
      %get3A_130 = tpu.vector_load %arg12[%get3A_129] {strides = array<i32>} : memref<10240xi32, #tpu.memory_space<vmem>>, vector<16xi32>,
      %gather3A_131 = tpu.vector_load_idx %arg9[%get3A_124] : memref<10240xi32, #tpu.memory_space<vmem>>[vector<16xi32>], vector<16xi32>,
      %gather3A_132 = tpu.vector_load_idx %arg10[%get3A_124] : memref<10240xf32, #tpu.memory_space<vmem>>[vector<16xi32>], vector<16xf32>,
      %mul3A_133 = arith.constant 64 : i32
      %mul3A_134 = vector.broadcast %mul3A_133 : i32 to vector<16xi32>
      %mul3A_135 = arith.muli %get3A_130, %mul3A_134 : vector<16xi32>
      %add3A_136 = arith.addi %mul3A_135, %gather3A_131 : vector<16xi32>
      %swap3A_137 = arith.index_cast %scan3A_13 : i32 to index
      %swap3A_138 = arith.constant 64 : index
      %swap3A_139 = tpu.vector_load %arg13[%swap3A_137, %swap3A_138] {strides = array<i32>} : memref<80x128xi32, #tpu.memory_space<vmem>>, vector<16xi32>,
      tpu.vector_store %arg13[%swap3A_137, %swap3A_138], %add3A_136 {strides = array<i32>} : memref<80x128xi32, #tpu.memory_space<vmem>>, vector<16xi32>,
      %mul3A_140 = arith.constant 128 : i32
      %mul3A_141 = arith.muli %scan3A_13, %mul3A_140 : i32
      %add3A_142 = arith.constant 64 : i32
      %add3A_143 = arith.addi %mul3A_141, %add3A_142 : i32
      %swap3A_144 = arith.index_cast %add3A_143 : i32 to index
      %swap3A_145 = tpu.vector_load %arg14[%swap3A_144] {strides = array<i32>} : memref<10240xf32, #tpu.memory_space<vmem>>, vector<16xf32>,
      tpu.vector_store %arg14[%swap3A_144], %gather3A_132 {strides = array<i32>} : memref<10240xf32, #tpu.memory_space<vmem>>, vector<16xf32>,
      %mul3A_146 = arith.constant 128 : i32
      %mul3A_147 = arith.muli %scan3A_13, %mul3A_146 : i32
      %add3A_148 = arith.constant 80 : i32
      %add3A_149 = arith.addi %mul3A_147, %add3A_148 : i32
      %get3A_150 = arith.index_cast %add3A_149 : i32 to index
      %get3A_151 = tpu.vector_load %arg11[%get3A_150] {strides = array<i32>} : memref<10240xi32, #tpu.memory_space<vmem>>, vector<16xi32>,
      %mul3A_152 = arith.constant 128 : i32
      %mul3A_153 = arith.muli %scan3A_13, %mul3A_152 : i32
      %add3A_154 = arith.constant 80 : i32
      %add3A_155 = arith.addi %mul3A_153, %add3A_154 : i32
      %get3A_156 = arith.index_cast %add3A_155 : i32 to index
      %get3A_157 = tpu.vector_load %arg12[%get3A_156] {strides = array<i32>} : memref<10240xi32, #tpu.memory_space<vmem>>, vector<16xi32>,
      %gather3A_158 = tpu.vector_load_idx %arg9[%get3A_151] : memref<10240xi32, #tpu.memory_space<vmem>>[vector<16xi32>], vector<16xi32>,
      %gather3A_159 = tpu.vector_load_idx %arg10[%get3A_151] : memref<10240xf32, #tpu.memory_space<vmem>>[vector<16xi32>], vector<16xf32>,
      %mul3A_160 = arith.constant 64 : i32
      %mul3A_161 = vector.broadcast %mul3A_160 : i32 to vector<16xi32>
      %mul3A_162 = arith.muli %get3A_157, %mul3A_161 : vector<16xi32>
      %add3A_163 = arith.addi %mul3A_162, %gather3A_158 : vector<16xi32>
      %swap3A_164 = arith.index_cast %scan3A_13 : i32 to index
      %swap3A_165 = arith.constant 80 : index
      %swap3A_166 = tpu.vector_load %arg13[%swap3A_164, %swap3A_165] {strides = array<i32>} : memref<80x128xi32, #tpu.memory_space<vmem>>, vector<16xi32>,
      tpu.vector_store %arg13[%swap3A_164, %swap3A_165], %add3A_163 {strides = array<i32>} : memref<80x128xi32, #tpu.memory_space<vmem>>, vector<16xi32>,
      %mul3A_167 = arith.constant 128 : i32
      %mul3A_168 = arith.muli %scan3A_13, %mul3A_167 : i32
      %add3A_169 = arith.constant 80 : i32
      %add3A_170 = arith.addi %mul3A_168, %add3A_169 : i32
      %swap3A_171 = arith.index_cast %add3A_170 : i32 to index
      %swap3A_172 = tpu.vector_load %arg14[%swap3A_171] {strides = array<i32>} : memref<10240xf32, #tpu.memory_space<vmem>>, vector<16xf32>,
      tpu.vector_store %arg14[%swap3A_171], %gather3A_159 {strides = array<i32>} : memref<10240xf32, #tpu.memory_space<vmem>>, vector<16xf32>,
      %mul3A_173 = arith.constant 128 : i32
      %mul3A_174 = arith.muli %scan3A_13, %mul3A_173 : i32
      %add3A_175 = arith.constant 96 : i32
      %add3A_176 = arith.addi %mul3A_174, %add3A_175 : i32
      %get3A_177 = arith.index_cast %add3A_176 : i32 to index
      %get3A_178 = tpu.vector_load %arg11[%get3A_177] {strides = array<i32>} : memref<10240xi32, #tpu.memory_space<vmem>>, vector<16xi32>,
      %mul3A_179 = arith.constant 128 : i32
      %mul3A_180 = arith.muli %scan3A_13, %mul3A_179 : i32
      %add3A_181 = arith.constant 96 : i32
      %add3A_182 = arith.addi %mul3A_180, %add3A_181 : i32
      %get3A_183 = arith.index_cast %add3A_182 : i32 to index
      %get3A_184 = tpu.vector_load %arg12[%get3A_183] {strides = array<i32>} : memref<10240xi32, #tpu.memory_space<vmem>>, vector<16xi32>,
      %gather3A_185 = tpu.vector_load_idx %arg9[%get3A_178] : memref<10240xi32, #tpu.memory_space<vmem>>[vector<16xi32>], vector<16xi32>,
      %gather3A_186 = tpu.vector_load_idx %arg10[%get3A_178] : memref<10240xf32, #tpu.memory_space<vmem>>[vector<16xi32>], vector<16xf32>,
      %mul3A_187 = arith.constant 64 : i32
      %mul3A_188 = vector.broadcast %mul3A_187 : i32 to vector<16xi32>
      %mul3A_189 = arith.muli %get3A_184, %mul3A_188 : vector<16xi32>
      %add3A_190 = arith.addi %mul3A_189, %gather3A_185 : vector<16xi32>
      %swap3A_191 = arith.index_cast %scan3A_13 : i32 to index
      %swap3A_192 = arith.constant 96 : index
      %swap3A_193 = tpu.vector_load %arg13[%swap3A_191, %swap3A_192] {strides = array<i32>} : memref<80x128xi32, #tpu.memory_space<vmem>>, vector<16xi32>,
      tpu.vector_store %arg13[%swap3A_191, %swap3A_192], %add3A_190 {strides = array<i32>} : memref<80x128xi32, #tpu.memory_space<vmem>>, vector<16xi32>,
      %mul3A_194 = arith.constant 128 : i32
      %mul3A_195 = arith.muli %scan3A_13, %mul3A_194 : i32
      %add3A_196 = arith.constant 96 : i32
      %add3A_197 = arith.addi %mul3A_195, %add3A_196 : i32
      %swap3A_198 = arith.index_cast %add3A_197 : i32 to index
      %swap3A_199 = tpu.vector_load %arg14[%swap3A_198] {strides = array<i32>} : memref<10240xf32, #tpu.memory_space<vmem>>, vector<16xf32>,
      tpu.vector_store %arg14[%swap3A_198], %gather3A_186 {strides = array<i32>} : memref<10240xf32, #tpu.memory_space<vmem>>, vector<16xf32>,
      %mul3A_200 = arith.constant 128 : i32
      %mul3A_201 = arith.muli %scan3A_13, %mul3A_200 : i32
      %add3A_202 = arith.constant 112 : i32
      %add3A_203 = arith.addi %mul3A_201, %add3A_202 : i32
      %get3A_204 = arith.index_cast %add3A_203 : i32 to index
      %get3A_205 = tpu.vector_load %arg11[%get3A_204] {strides = array<i32>} : memref<10240xi32, #tpu.memory_space<vmem>>, vector<16xi32>,
      %mul3A_206 = arith.constant 128 : i32
      %mul3A_207 = arith.muli %scan3A_13, %mul3A_206 : i32
      %add3A_208 = arith.constant 112 : i32
      %add3A_209 = arith.addi %mul3A_207, %add3A_208 : i32
      %get3A_210 = arith.index_cast %add3A_209 : i32 to index
      %get3A_211 = tpu.vector_load %arg12[%get3A_210] {strides = array<i32>} : memref<10240xi32, #tpu.memory_space<vmem>>, vector<16xi32>,
      %gather3A_212 = tpu.vector_load_idx %arg9[%get3A_205] : memref<10240xi32, #tpu.memory_space<vmem>>[vector<16xi32>], vector<16xi32>,
      %gather3A_213 = tpu.vector_load_idx %arg10[%get3A_205] : memref<10240xf32, #tpu.memory_space<vmem>>[vector<16xi32>], vector<16xf32>,
      %mul3A_214 = arith.constant 64 : i32
      %mul3A_215 = vector.broadcast %mul3A_214 : i32 to vector<16xi32>
      %mul3A_216 = arith.muli %get3A_211, %mul3A_215 : vector<16xi32>
      %add3A_217 = arith.addi %mul3A_216, %gather3A_212 : vector<16xi32>
      %swap3A_218 = arith.index_cast %scan3A_13 : i32 to index
      %swap3A_219 = arith.constant 112 : index
      %swap3A_220 = tpu.vector_load %arg13[%swap3A_218, %swap3A_219] {strides = array<i32>} : memref<80x128xi32, #tpu.memory_space<vmem>>, vector<16xi32>,
      tpu.vector_store %arg13[%swap3A_218, %swap3A_219], %add3A_217 {strides = array<i32>} : memref<80x128xi32, #tpu.memory_space<vmem>>, vector<16xi32>,
      %mul3A_221 = arith.constant 128 : i32
      %mul3A_222 = arith.muli %scan3A_13, %mul3A_221 : i32
      %add3A_223 = arith.constant 112 : i32
      %add3A_224 = arith.addi %mul3A_222, %add3A_223 : i32
      %swap3A_225 = arith.index_cast %add3A_224 : i32 to index
      %swap3A_226 = tpu.vector_load %arg14[%swap3A_225] {strides = array<i32>} : memref<10240xf32, #tpu.memory_space<vmem>>, vector<16xf32>,
      tpu.vector_store %arg14[%swap3A_225], %gather3A_213 {strides = array<i32>} : memref<10240xf32, #tpu.memory_space<vmem>>, vector<16xf32>,
      %mul3A_227 = arith.constant 128 : i32
      %mul3A_228 = arith.muli %scan3A_13, %mul3A_227 : i32
      "tpu.region"() ({
        %run_scoped3A = tpu.sem_alloc : memref<!tpu.dma_semaphore, #tpu.memory_space<semaphore_mem>>
        %dma_start3A = tpu.memref_slice %arg14[%mul3A_228] : memref<10240xf32, #tpu.memory_space<vmem>> -> memref<128xf32, #tpu.memory_space<vmem>>
        %dma_start3A_229 = arith.constant 0 : i32
        %dma_start3A_230 = tpu.memref_slice %arg13[%scan3A_13, %dma_start3A_229] : memref<80x128xi32, #tpu.memory_space<vmem>> -> memref<1x128xi32, #tpu.memory_space<vmem>>
        %dma_start3A_231 = tpu.memref_squeeze %dma_start3A_230 : memref<1x128xi32, #tpu.memory_space<vmem>> -> memref<128xi32, #tpu.memory_space<vmem>>
        %dma_start3A_232 = arith.constant 0 : i32
        %dma_start3A_233 = tpu.memref_slice %arg8[%dma_start3A_232] : memref<655360xf32, #tpu.memory_space<vmem_shared>> -> memref<655360xf32, #tpu.memory_space<vmem_shared>>
        tpu.enqueue_indirect_dma source(%dma_start3A : memref<128xf32, #tpu.memory_space<vmem>>) target(%dma_start3A_233 : memref<655360xf32, #tpu.memory_space<vmem_shared>>) offsets(%dma_start3A_231 : memref<128xi32, #tpu.memory_space<vmem>>) semaphore(%run_scoped3A : memref<!tpu.dma_semaphore, #tpu.memory_space<semaphore_mem>>) {add = true}
        %dma_wait3A = tpu.memref_slice %arg14[%mul3A_228] : memref<10240xf32, #tpu.memory_space<vmem>> -> memref<128xf32, #tpu.memory_space<vmem>>
        %dma_wait3A_234 = arith.constant 0 : i32
        %dma_wait3A_235 = tpu.memref_slice %arg13[%scan3A_13, %dma_wait3A_234] : memref<80x128xi32, #tpu.memory_space<vmem>> -> memref<1x128xi32, #tpu.memory_space<vmem>>
        %dma_wait3A_236 = tpu.memref_squeeze %dma_wait3A_235 : memref<1x128xi32, #tpu.memory_space<vmem>> -> memref<128xi32, #tpu.memory_space<vmem>>
        %dma_wait3A_237 = arith.constant 0 : i32
        %dma_wait3A_238 = tpu.memref_slice %arg8[%dma_wait3A_237] : memref<655360xf32, #tpu.memory_space<vmem_shared>> -> memref<655360xf32, #tpu.memory_space<vmem_shared>>
        tpu.wait_indirect_dma semaphore(%run_scoped3A : memref<!tpu.dma_semaphore, #tpu.memory_space<semaphore_mem>>) src(%dma_wait3A : memref<128xf32, #tpu.memory_space<vmem>>) dst(%dma_wait3A_238 : memref<655360xf32, #tpu.memory_space<vmem_shared>>)
        tpu.yield
      }) : () -> ()
    }
    %scan3A_7 = arith.constant 80 : i32
    %barrier3A_8 = arith.constant 0 : index
    tpu.barrier barrier_id(%barrier3A_8)
    %mul3A_9 = arith.constant 40960 : i32
    %mul3A_10 = arith.muli %arg1, %mul3A_9 : i32
    %mul3A_11 = arith.constant 40960 : i32
    %mul3A_12 = arith.muli %arg1, %mul3A_11 : i32
    "tpu.region"() ({
      %run_scoped3A = tpu.sem_alloc : memref<!tpu.dma_semaphore, #tpu.memory_space<semaphore_mem>>
      %dma_start3A = tpu.memref_slice %arg7[%arg0, %mul3A_12] : memref<2x655360xf32, #tpu.memory_space<hbm>> -> memref<1x40960xf32, #tpu.memory_space<hbm>>
      %dma_start3A_13 = tpu.memref_squeeze %dma_start3A : memref<1x40960xf32, #tpu.memory_space<hbm>> -> memref<40960xf32, #tpu.memory_space<hbm>>
      %dma_start3A_14 = tpu.memref_slice %arg8[%mul3A_10] : memref<655360xf32, #tpu.memory_space<vmem_shared>> -> memref<40960xf32, #tpu.memory_space<vmem_shared>>
      tpu.enqueue_dma source(%dma_start3A_14 : memref<40960xf32, #tpu.memory_space<vmem_shared>>) target(%dma_start3A_13 : memref<40960xf32, #tpu.memory_space<hbm>>) target_semaphore(%run_scoped3A : memref<!tpu.dma_semaphore, #tpu.memory_space<semaphore_mem>>)
      %dma_wait3A = tpu.memref_slice %arg7[%arg0, %mul3A_12] : memref<2x655360xf32, #tpu.memory_space<hbm>> -> memref<1x40960xf32, #tpu.memory_space<hbm>>
      %dma_wait3A_15 = tpu.memref_squeeze %dma_wait3A : memref<1x40960xf32, #tpu.memory_space<hbm>> -> memref<40960xf32, #tpu.memory_space<hbm>>
      %dma_wait3A_16 = tpu.memref_slice %arg8[%mul3A_10] : memref<655360xf32, #tpu.memory_space<vmem_shared>> -> memref<40960xf32, #tpu.memory_space<vmem_shared>>
      tpu.wait_dma2 semaphore(%run_scoped3A : memref<!tpu.dma_semaphore, #tpu.memory_space<semaphore_mem>>) src(%dma_wait3A_16 : memref<40960xf32, #tpu.memory_space<vmem_shared>>) dst(%dma_wait3A_15 : memref<40960xf32, #tpu.memory_space<hbm>>)
      tpu.yield
    }) : () -> ()
    return
  }
}

module attributes {stable_mosaic.version = 14 : i64} {
  func.func @_norm_body(%arg0: memref<2x10240xf32, #tpu.memory_space<vmem>>, %arg1: memref<2x10240xf32, #tpu.memory_space<vmem>>) attributes {dimension_semantics = [], scalar_prefetch = 0 : i64, scratch_operands = 0 : i64, tpu.core_type = #tpu.core_type<tc>} {
    %get3A = arith.constant 0 : index
    %get3A_0 = arith.constant 0 : index
    %get3A_1 = vector.load %arg0[%get3A, %get3A_0] : memref<2x10240xf32, #tpu.memory_space<vmem>>, vector<2x10240xf32>
    %max3A = arith.constant 1.000000e+00 : f32
    %max3A_2 = vector.broadcast %max3A : f32 to vector<2x10240xf32>
    %max3A_3 = arith.maximumf %get3A_1, %max3A_2 : vector<2x10240xf32>
    %rsqrt3A = math.rsqrt %max3A_3 : vector<2x10240xf32>
    %swap3A = arith.constant 0 : index
    %swap3A_4 = arith.constant 0 : index
    %swap3A_5 = vector.load %arg1[%swap3A, %swap3A_4] : memref<2x10240xf32, #tpu.memory_space<vmem>>, vector<2x10240xf32>
    tpu.vector_store %arg1[%swap3A, %swap3A_4], %rsqrt3A {strides = array<i32>} : memref<2x10240xf32, #tpu.memory_space<vmem>>, vector<2x10240xf32>,
    return
  }
}

module attributes {stable_mosaic.version = 14 : i64} {
  func.func @_tc1_body(%arg0: memref<2x10240x64xf32, #tpu.memory_space<vmem>>, %arg1: memref<64x128xf32, #tpu.memory_space<vmem>>, %arg2: memref<128x128xf32, #tpu.memory_space<vmem>>, %arg3: memref<1x128xf32, #tpu.memory_space<vmem>>, %arg4: memref<10240x1xf32, #tpu.memory_space<vmem>>, %arg5: memref<10240x1xf32, #tpu.memory_space<vmem>>, %arg6: memref<10240x128xf32, #tpu.memory_space<vmem>>) attributes {dimension_semantics = [], scalar_prefetch = 0 : i64, scratch_operands = 0 : i64, tpu.core_type = #tpu.core_type<tc>} {
    %get3A = arith.constant 0 : index
    %get3A_0 = arith.constant 0 : index
    %get3A_1 = arith.constant 0 : index
    %get3A_2 = vector.load %arg0[%get3A, %get3A_0, %get3A_1] : memref<2x10240x64xf32, #tpu.memory_space<vmem>>, vector<1x10240x64xf32>
    %get3A_3 = vector.shape_cast %get3A_2 : vector<1x10240x64xf32> to vector<10240x64xf32>
    %get3A_4 = arith.constant 1 : index
    %get3A_5 = arith.constant 0 : index
    %get3A_6 = arith.constant 0 : index
    %get3A_7 = vector.load %arg0[%get3A_4, %get3A_5, %get3A_6] : memref<2x10240x64xf32, #tpu.memory_space<vmem>>, vector<1x10240x64xf32>
    %get3A_8 = vector.shape_cast %get3A_7 : vector<1x10240x64xf32> to vector<10240x64xf32>
    %add3A = arith.addf %get3A_3, %get3A_8 : vector<10240x64xf32>
    %get3A_9 = arith.constant 0 : index
    %get3A_10 = arith.constant 0 : index
    %get3A_11 = vector.load %arg1[%get3A_9, %get3A_10] : memref<64x128xf32, #tpu.memory_space<vmem>>, vector<64x128xf32>
    %dot_general3A = arith.constant dense<0.000000e+00> : vector<10240x128xf32>
    %dot_general3A_12 = tpu.matmul %add3A, %get3A_11, %dot_general3A {dimension_numbers = #tpu.dot_dimension_numbers<[1], [0], [0], [1], [0, 0, 1, 1], [], []>, transpose_lhs_hint = false} : vector<10240x64xf32>, vector<64x128xf32>, vector<10240x128xf32> -> vector<10240x128xf32>
    %get3A_13 = arith.constant 0 : index
    %get3A_14 = arith.constant 0 : index
    %get3A_15 = vector.load %arg4[%get3A_13, %get3A_14] : memref<10240x1xf32, #tpu.memory_space<vmem>>, vector<10240x1xf32>
    %mul3A = vector.broadcast %get3A_15 : vector<10240x1xf32> to vector<10240x128xf32>
    %mul3A_16 = arith.mulf %dot_general3A_12, %mul3A : vector<10240x128xf32>
    %get3A_17 = arith.constant 0 : index
    %get3A_18 = arith.constant 0 : index
    %get3A_19 = vector.load %arg2[%get3A_17, %get3A_18] : memref<128x128xf32, #tpu.memory_space<vmem>>, vector<128x128xf32>
    %dot_general3A_20 = arith.constant dense<0.000000e+00> : vector<10240x128xf32>
    %dot_general3A_21 = tpu.matmul %mul3A_16, %get3A_19, %dot_general3A_20 {dimension_numbers = #tpu.dot_dimension_numbers<[1], [0], [0], [1], [0, 0, 1, 1], [], []>, transpose_lhs_hint = false} : vector<10240x128xf32>, vector<128x128xf32>, vector<10240x128xf32> -> vector<10240x128xf32>
    %get3A_22 = arith.constant 0 : index
    %get3A_23 = arith.constant 0 : index
    %get3A_24 = vector.load %arg3[%get3A_22, %get3A_23] : memref<1x128xf32, #tpu.memory_space<vmem>>, vector<1x128xf32>
    %add3A_25 = vector.broadcast %get3A_24 : vector<1x128xf32> to vector<10240x128xf32>
    %add3A_26 = arith.addf %dot_general3A_21, %add3A_25 : vector<10240x128xf32>
    %max3A = arith.constant 0.000000e+00 : f32
    %max3A_27 = vector.broadcast %max3A : f32 to vector<10240x128xf32>
    %max3A_28 = arith.maximumf %add3A_26, %max3A_27 : vector<10240x128xf32>
    %get3A_29 = arith.constant 0 : index
    %get3A_30 = arith.constant 0 : index
    %get3A_31 = vector.load %arg5[%get3A_29, %get3A_30] : memref<10240x1xf32, #tpu.memory_space<vmem>>, vector<10240x1xf32>
    %mul3A_32 = vector.broadcast %get3A_31 : vector<10240x1xf32> to vector<10240x128xf32>
    %mul3A_33 = arith.mulf %max3A_28, %mul3A_32 : vector<10240x128xf32>
    %swap3A = arith.constant 0 : index
    %swap3A_34 = arith.constant 0 : index
    %swap3A_35 = vector.load %arg6[%swap3A, %swap3A_34] : memref<10240x128xf32, #tpu.memory_space<vmem>>, vector<10240x128xf32>
    tpu.vector_store %arg6[%swap3A, %swap3A_34], %mul3A_33 {strides = array<i32>} : memref<10240x128xf32, #tpu.memory_space<vmem>>, vector<10240x128xf32>,
    return
  }
}

module attributes {stable_mosaic.version = 14 : i64} {
  func.func @_tc2_body(%arg0: memref<2x10240x128xf32, #tpu.memory_space<vmem>>, %arg1: memref<128x128xf32, #tpu.memory_space<vmem>>, %arg2: memref<1x128xf32, #tpu.memory_space<vmem>>, %arg3: memref<10240x1xf32, #tpu.memory_space<vmem>>, %arg4: memref<1x128xf32, #tpu.memory_space<vmem>>) attributes {dimension_semantics = [], scalar_prefetch = 0 : i64, scratch_operands = 0 : i64, tpu.core_type = #tpu.core_type<tc>} {
    %get3A = arith.constant 0 : index
    %get3A_0 = arith.constant 0 : index
    %get3A_1 = arith.constant 0 : index
    %get3A_2 = vector.load %arg0[%get3A, %get3A_0, %get3A_1] : memref<2x10240x128xf32, #tpu.memory_space<vmem>>, vector<1x10240x128xf32>
    %get3A_3 = vector.shape_cast %get3A_2 : vector<1x10240x128xf32> to vector<10240x128xf32>
    %get3A_4 = arith.constant 1 : index
    %get3A_5 = arith.constant 0 : index
    %get3A_6 = arith.constant 0 : index
    %get3A_7 = vector.load %arg0[%get3A_4, %get3A_5, %get3A_6] : memref<2x10240x128xf32, #tpu.memory_space<vmem>>, vector<1x10240x128xf32>
    %get3A_8 = vector.shape_cast %get3A_7 : vector<1x10240x128xf32> to vector<10240x128xf32>
    %add3A = arith.addf %get3A_3, %get3A_8 : vector<10240x128xf32>
    %get3A_9 = arith.constant 0 : index
    %get3A_10 = arith.constant 0 : index
    %get3A_11 = vector.load %arg3[%get3A_9, %get3A_10] : memref<10240x1xf32, #tpu.memory_space<vmem>>, vector<10240x1xf32>
    %mul3A = vector.broadcast %get3A_11 : vector<10240x1xf32> to vector<10240x128xf32>
    %mul3A_12 = arith.mulf %add3A, %mul3A : vector<10240x128xf32>
    %get3A_13 = arith.constant 0 : index
    %get3A_14 = arith.constant 0 : index
    %get3A_15 = vector.load %arg1[%get3A_13, %get3A_14] : memref<128x128xf32, #tpu.memory_space<vmem>>, vector<128x128xf32>
    %dot_general3A = arith.constant dense<0.000000e+00> : vector<10240x128xf32>
    %dot_general3A_16 = tpu.matmul %mul3A_12, %get3A_15, %dot_general3A {dimension_numbers = #tpu.dot_dimension_numbers<[1], [0], [0], [1], [0, 0, 1, 1], [], []>, transpose_lhs_hint = false} : vector<10240x128xf32>, vector<128x128xf32>, vector<10240x128xf32> -> vector<10240x128xf32>
    %get3A_17 = arith.constant 0 : index
    %get3A_18 = arith.constant 0 : index
    %get3A_19 = vector.load %arg2[%get3A_17, %get3A_18] : memref<1x128xf32, #tpu.memory_space<vmem>>, vector<1x128xf32>
    %add3A_20 = vector.broadcast %get3A_19 : vector<1x128xf32> to vector<10240x128xf32>
    %add3A_21 = arith.addf %dot_general3A_16, %add3A_20 : vector<10240x128xf32>
    %max3A = arith.constant 0.000000e+00 : f32
    %max3A_22 = vector.broadcast %max3A : f32 to vector<10240x128xf32>
    %max3A_23 = arith.maximumf %add3A_21, %max3A_22 : vector<10240x128xf32>
    %iota3A = tpu.iota {dimensions = array<i32: 0>} : vector<10240x1xi32>
    %lt3A = arith.constant 10000 : i32
    %lt3A_24 = vector.broadcast %lt3A : i32 to vector<10240x1xi32>
    %lt3A_25 = arith.cmpi slt, %iota3A, %lt3A_24 : vector<10240x1xi32>
    %convert_element_type3A = arith.extui %lt3A_25 : vector<10240x1xi1> to vector<10240x1xi32>
    %convert_element_type3A_26 = arith.sitofp %convert_element_type3A : vector<10240x1xi32> to vector<10240x1xf32>
    %mul3A_27 = vector.broadcast %convert_element_type3A_26 : vector<10240x1xf32> to vector<10240x128xf32>
    %mul3A_28 = arith.mulf %max3A_23, %mul3A_27 : vector<10240x128xf32>
    %reduce_sum3A = arith.constant dense<0.000000e+00> : vector<128xf32>
    %reduce_sum3A_29 = vector.multi_reduction <add>, %mul3A_28, %reduce_sum3A [0] : vector<10240x128xf32> to vector<128xf32>
    %broadcast_in_dim3A = vector.shape_cast %reduce_sum3A_29 : vector<128xf32> to vector<1x128xf32>
    %mul3A_30 = arith.constant 9.99999974E-5 : f32
    %mul3A_31 = vector.broadcast %mul3A_30 : f32 to vector<1x128xf32>
    %mul3A_32 = arith.mulf %broadcast_in_dim3A, %mul3A_31 : vector<1x128xf32>
    %swap3A = arith.constant 0 : index
    %swap3A_33 = arith.constant 0 : index
    %swap3A_34 = vector.load %arg4[%swap3A, %swap3A_33] : memref<1x128xf32, #tpu.memory_space<vmem>>, vector<1x128xf32>
    tpu.vector_store %arg4[%swap3A, %swap3A_33], %mul3A_32 {strides = array<i32>} : memref<1x128xf32, #tpu.memory_space<vmem>>, vector<1x128xf32>,
    return
  }
}

</mosaic_0001>

<sc_bundles>
// kernel: kernel.11.cloned.1.call-start
scs
__scs_entry_jumppad:
0x0: {  	(pc) =	sbr.rel $0x88, $3  }
0x1: {  	(tag) =	ssettag $0x0;
	lr =	simm.s32 $0x1  }
0x2: {  	[smem:$0x3F9A] =	sst lr;
	_ =	strace $0xD0000000  }
0x3: {  	_ = 	snop  }
0x4: {  	_ = 	snop  }
0x5: {  	_ = 	snop  }
0x6: {  	_ = 	snop  }
0x7: {  	_ = 	snop  }
__scs_overlays_trampoline_lowered:
0x8: {  	[smem:$0x3FA9] =	sst s0  }
0x9: {  	[smem:$0x3FAA] =	sst s1  }
0xa: {  	[smem:$0x3FAB] =	sst s2  }
0xb: {  	[smem:$0x3FAC] =	sst s3  }
0xc: {  	[smem:$0x3FAD] =	sst s4  }
0xd: {  	[smem:$0x3FAE] =	sst s5  }
0xe: {  	[smem:$0x3FAF] =	sst s6  }
0xf: {  	[smem:$0x3FB0] =	sst s7  }
0x10: {  	[smem:$0x3FB1] =	sst s8  }
0x11: {  	[smem:$0x3FB2] =	sst s9;
	s0 =	simm.s32 @!p0 $0x0  }
0x12: {  	s1 =	sld [smem:$0x3F98];
	s0 =	simm.s32 @p0 $0x1  }
0x13: {  	[smem:$0x3FB3] =	sst s0;
	s0 =	simm.s32 @!p1 $0x0  }
0x14: {  	s2 =	sld [smem:$0x3F97];
	s0 =	simm.s32 @p1 $0x1  }
0x15: {  	[smem:$0x3FB4] =	sst s0;
	s0 =	simm.s32 @!p2 $0x0  }
0x16: {  	s3 =	sld [smem:$0x3FDB];
	s0 =	simm.s32 @p2 $0x1  }
0x17: {  	s4 =	simm.s32 $0x1BF5;
	[smem:$0x3FB6] =	sst s0  }
0x18: {  	s0 =	sld [smem:$0x3F99];
	_ =	swait.ge [sflag:s4], $0x0  }
0x19: {  	s7 =	sld [smem:$0x3F9A]  }
0x1a: {  	s8 =	sadd.s32 $0xFFFFE003, lr  }
0x1b: {  	s9 =	sadd.s32 $0xFFFFFEF7, lr;
	s5 =	simm.s32 $0xFFFFFFFF;
	p2 =	slt.u32 s8, $0xFFFFF086  }
0x1c: {  	p1 =	slt.u32 s9, $0xF7A;
	s5 =	simm.s32 @!p2 $0x0  }
0x1d: {  	s5 =	simm.s32 @p1 $0x1;
	p0 =	seq.s32 s7, s2  }
0x1e: {  	s7 =	smul.u32 @!p0 $0xF7A, s2;
	p2 =	seq.s32 @!p0 s5, $0x0  }
0x1f: {  	s9 =	smul.u32 $0xF7A, s1;
	s8 =	simm.s32 @!p0 $0x1BF5;
	p2 =	por !p2, p0  }
0x20: {  	[sflag:s8] =	ssyncset.s32 @!p0 $0xFFFFF086;
	s6 =	sadd.s32 @!p0 s3, s7;
	s7 =	simm.s32 @!p0 $0x108  }
0x21: {  	s3 =	sadd.s32 s3, s9;
	s6 =	sadd.s32 @!p0 $0x88, s6;
	s7 =	simm.s32 @p2 $0x1082  }
0x22: {  	[simem:s7], [sflag:s8] =	dma.local @!p0 [hbm:s6], $0xF7A  }
0x23: {  	s9 =	sor.u32 $0xD0000000, s2;
	s6 =	simm.s32 $0x108;
	_ =	swait.ge @!p0 [sflag:s8], $0x0  }
0x24: {  	s3 =	sadd.s32 $0x88, s3;
	s6 =	simm.s32 @!p1 $0x1082;
	[sflag:s4] =	ssyncset.s32 $0xFFFFF086  }
0x25: {  	[simem:s6], [sflag:s4] =	dma.local [hbm:s3], $0xF7A  }
0x26: {  	[smem:$0x3F9A] =	sst s1;
	(tag) =	ssettag s2;
	_ =	strace s9  }
0x27: {  	s1 =	sld [smem:$0x3FAA]  }
0x28: {  	s2 =	sld [smem:$0x3FAB]  }
0x29: {  	s4 =	sld [smem:$0x3FAD]  }
0x2a: {  	p0 =	seq.s32 s5, $0x0;
	s5 =	sld [smem:$0x3FAE]  }
0x2b: {  	s6 =	sld [smem:$0x3FAF]  }
0x2c: {  	s7 =	sld [smem:$0x3FB0]  }
0x2d: {  	s3 =	simm.s32 $0x108;
	s8 =	sld [smem:$0x3FB1]  }
0x2e: {  	s3 =	simm.s32 @!p0 $0x1082;
	s9 =	sld [smem:$0x3FB2]  }
0x2f: {  	lr =	sadd.s32 s0, s3;
	s0 =	sld [smem:$0x3FA9]  }
0x30: {  	s3 =	sld [smem:$0x3FAC]  }
0x31: {  	[smem:$0x3FB5] =	sst s10  }
0x32: {  	s10 =	sld [smem:$0x3FB3];
	_ =	sdelay $0x3  }
0x33: {  	p0 =	seq.s32 s10, $0x1;
	s10 =	sld [smem:$0x3FB5];
	_ =	sdelay $0x3  }
0x34: {  	[smem:$0x3FB5] =	sst s10  }
0x35: {  	s10 =	sld [smem:$0x3FB4];
	_ =	sdelay $0x3  }
0x36: {  	p1 =	seq.s32 s10, $0x1;
	s10 =	sld [smem:$0x3FB5];
	_ =	sdelay $0x3  }
0x37: {  	[smem:$0x3FB5] =	sst s10  }
0x38: {  	s10 =	sld [smem:$0x3FB6]  }
0x39: {  	_ = 	snop;
	(pc) =	sbr.ind lr, $3  }
0x3a: {  	_ = 	snop  }
0x3b: {  	_ = 	snop  }
0x3c: {  	p2 =	seq.s32 s10, $0x1;
	s10 =	sld [smem:$0x3FB5]  }
0x3d: {  	_ =	shalt  }
0x3e: {  	_ =	shalt  }
0x3f: {  	_ =	shalt  }
0x40: {  	_ =	shalt  }
0x41: {  	_ =	shalt  }
0x42: {  	_ =	shalt  }
0x43: {  	_ =	shalt  }
0x44: {  	_ =	shalt  }
0x45: {  	_ =	shalt  }
0x46: {  	_ =	shalt  }
0x47: {  	_ =	shalt  }
0x48: {  	_ =	shalt  }
0x49: {  	_ =	shalt  }
0x4a: {  	_ =	shalt  }
0x4b: {  	_ =	shalt  }
0x4c: {  	_ =	shalt  }
0x4d: {  	_ =	shalt  }
0x4e: {  	_ =	shalt  }
0x4f: {  	_ =	shalt  }
0x50: {  	_ =	shalt  }
0x51: {  	_ =	shalt  }
0x52: {  	_ =	shalt  }
0x53: {  	_ =	shalt  }
0x54: {  	_ =	shalt  }
0x55: {  	_ =	shalt  }
0x56: {  	_ =	shalt  }
0x57: {  	_ =	shalt  }
0x58: {  	_ =	shalt  }
0x59: {  	_ =	shalt  }
0x5a: {  	_ =	shalt  }
0x5b: {  	_ =	shalt  }
0x5c: {  	_ =	shalt  }
0x5d: {  	_ =	shalt  }
0x5e: {  	_ =	shalt  }
0x5f: {  	_ =	shalt  }
0x60: {  	_ =	shalt  }
0x61: {  	_ =	shalt  }
0x62: {  	_ =	shalt  }
0x63: {  	_ =	shalt  }
0x64: {  	_ =	shalt  }
0x65: {  	_ =	shalt  }
0x66: {  	_ =	shalt  }
0x67: {  	_ =	shalt  }
0x68: {  	_ =	shalt  }
0x69: {  	_ =	shalt  }
0x6a: {  	_ =	shalt  }
0x6b: {  	_ =	shalt  }
0x6c: {  	_ =	shalt  }
0x6d: {  	_ =	shalt  }
0x6e: {  	_ =	shalt  }
0x6f: {  	_ =	shalt  }
0x70: {  	_ =	shalt  }
0x71: {  	_ =	shalt  }
0x72: {  	_ =	shalt  }
0x73: {  	_ =	shalt  }
0x74: {  	_ =	shalt  }
0x75: {  	_ =	shalt  }
0x76: {  	_ =	shalt  }
0x77: {  	_ =	shalt  }
0x78: {  	_ =	shalt  }
0x79: {  	_ =	shalt  }
0x7a: {  	_ =	shalt  }
0x7b: {  	_ =	shalt  }
0x7c: {  	_ =	shalt  }
0x7d: {  	_ =	shalt  }
0x7e: {  	_ =	shalt  }
0x7f: {  	_ =	shalt  }
0x80: {  	_ =	shalt  }
0x81: {  	_ =	shalt  }
0x82: {  	_ =	shalt  }
0x83: {  	_ =	shalt  }
0x84: {  	_ =	shalt  }
0x85: {  	_ =	shalt  }
0x86: {  	_ =	shalt  }
0x87: {  	_ =	shalt  }
.Lfunc_end0:
.L_simem_size_0:
called_computation.1_lowered:
.L_overlay_start_0:
0x88: {  	s2 =	sld [smem:$0x3FD9]  }
0x89: {  	s3 =	sld [smem:$0x3FFE];
	_ =	sdelay $0x1  }
0x8a: {  	s1 =	srdreg.scid  }
0x8b: {  	s0 =	sand.u32 $0x1, s1  }
0x8c: {  	s16 =	sshll.u32 s0, $0xA;
	s2 =	sadd.s32 s3, s2  }
0x8d: {  	s2 =	sadd.s32 s2, s16  }
0x8e: {  	[smem:$0x3FC1] =	sst s2  }
0x8f: {  	_ = 	snop  }
0x90: {  	(tm) =	ssettm $0x1  }
0x91: {  	s17 =	sld [smem:$0x3FFB];
	_ =	sdelay $0x3  }
0x92: {  	_ =	strace s17  }
0x93: {  	s2 =	sld [smem:$0x3FFC];
	_ =	sdelay $0x3  }
0x94: {  	_ =	strace s2  }
0x95: {  	s2 =	sld [smem:$0x3FFD];
	_ =	sdelay $0x3  }
0x96: {  	_ =	strace s2  }
0x97: {  	_ =	strace $0x8FFFFFFF  }
0x98: {  	s18 =	sld [smem:$0x3FDB];
	_ =	sdelay $0x1  }
0x99: {  	s19 =	simm.s32 $_scs_section_size  }
0x9a: {  	s4 =	simm.s32 $_size__tile_overlayer_lowered;
	s5 =	simm.s32 $_tile_overlayer_lowered  }
0x9b: {  	s22 =	simm.s32 $0x1BFF;
	s21 =	sshll.u32 s5, $0x1;
	s2 =	sadd.s32 s19, s18  }
0x9c: {  	s6 =	simm.s32 $0x0;
	s20 =	sshll.u32 s4, $0x1;
	s4 =	sadd.s32 s21, s2  }
0x9d: {  	[timem:s6], [sflag:s22] =	dma.local [hbm:s4], s20  }
0x9e: {  	_ =	swait.ge [sflag:s22], s20  }
0x9f: {  	s3 =	ssub.s32 $0x0, s20;
	[sflag:s22] =	ssyncset.done $0x0  }
0xa0: {  	[sflag:s22] =	ssyncadd.s32 s3;
	_ =	sdelay $0x1  }
0xa1: {  	s23 =	simm.s32 $0x1B8B  }
0xa2: {  	_ =	swait.ge [sflag:s23], $0x1  }
0xa3: {  	[sflag:s23] =	ssyncset.done $0x0  }
0xa4: {  	s25 =	simm.s32 $0x1B8E;
	s24 =	sld [smem:$0x3FFE];
	[sflag:s23] =	ssyncadd.s32 $0xFFFFFFFF  }
0xa5: {  	s26 =	simm.s32 $execute0_lowered;
	[smem:$0x3FD2] =	sst s25  }
0xa6: {  	s4 =	sshll.u32 s26, $0x1;
	_ =	strace $0x80000049;
	[dreg:$0x1] =	wrdreg $0xFFFFFFFF  }
0xa7: {  	s28 =	simm.s32 $_size_execute0_lowered;
	s2 =	sadd.s32 s2, s4;
	[dreg:$0x0] =	wrdreg $0x0  }
0xa8: {  	s4 =	sshll.u32 s28, $0x1;
	[dreg:$0x2] =	wrdreg s2  }
0xa9: {  	[dreg:$0x3] =	wrdreg s4  }
0xaa: {  	[dreg:$0x4] =	wrdreg $0xC0  }
0xab: {  	_ =	task [dreg:s6], $0x5FFFF  }
0xac: {  	[dreg:$0x1] =	wrdreg $0xFFFFFFFF  }
0xad: {  	[dreg:$0x0] =	wrdreg $0x60  }
0xae: {  	[dreg:$0x2] =	wrdreg s24  }
0xaf: {  	[dreg:$0x3] =	wrdreg $0x0  }
0xb0: {  	[dreg:$0x4] =	wrdreg $0x9  }
0xb1: {  	_ =	task.clear_ibuf [dreg:s6], $0x5FFFF;
	_ =	strace $0x90000049  }
0xb2: {  	s29 =	simm.s32 $0x9;
	_ =	strace $0x8000004B  }
0xb3: {  	_ =	swait.ge [sflag:s29], $0x1  }
0xb4: {  	[sflag:s29] =	ssyncadd.s32 $0xFFFFFFFF  }
0xb5: {  	_ =	strace $0x9000004B  }
0xb6: {  	_ =	sfence  }
0xb7: {  	s30 =	sld [smem:$0x0];
	_ =	sdelay $0x2  }
0xb8: {  	s31 =	sshll.u32 s1, $0xD;
	s1 =	sshrl.u32 s1, $0x2  }
0xb9: {  	s3 =	sand.u32 $0x4000, s31;
	s1 =	sadd.s32 s1, s30  }
0xba: {  	s0 =	sor.u32 s3, s0;
	s1 =	sshll.u32 s1, $0x11  }
0xbb: {  	s0 =	sor.u32 s1, s0  }
0xbc: {  	s0 =	sadd.s32 $0x8F2B, s0  }
0xbd: {  	[sflag:s0] =	ssyncadd.remote.s32 $0x1  }
0xbe: {  	_ =	sfence.sel $0xFFFF  }
0xbf: {  	[dreg:$0x0] =	wrdreg $0xFFFFFFFF;
	(pc) =	sbr.abs _section_cstart, $3  }
0xc0: {  	[dreg:$0x1] =	wrdreg $0xFFFFFFFF  }
0xc1: {  	_ =	task.clear_ibuf [dreg:s6], $0x2FFFF;
	_ =	strace $0x9FFFFFFF  }
0xc2: {  	(tm) =	ssettm $0x7FFFFFFF  }
0xc3: {  	_ =	shalt  }
tec
execute0_lowered:
.L_overlay_start_1:
0x0: {  	(tag) =	ssettag $0x1  }
0x1: {  	s8 =	rddreg [dreg:$0x0]  }
0x2: {  	s0 =	srdreg.scid;
	s2 =	rddreg [dreg:$0x1];
	s3 =	simm.s32 $0x0  }
0x3: {  	s15 =	simm.s32 $0xC800;
	s16 =	simm.s32 $0x80;
	s17 =	simm.s32 $0x400  }
0x4: {  	s18 =	simm.s32 $0xF000;
	s19 =	simm.s32 $0x11800;
	s20 =	simm.s32 $0x20  }
0x5: {  	s21 =	simm.s32 $0x10;
	s22 =	simm.s32 $0x0;
	s7 =	sand.u32 $0x1, s0  }
0x6: {  	s0 =	stileid.u32;
	[smem:$0x7FF] =	sst s3;
	s1 =	sshll.u32 s7, $0x4  }
0x7: {  	s5 =	sshll.u32 s0, $0x7;
	s30 =	smul.u32 $0x14000, s0;
	s6 =	sshll.u32 s7, $0x7  }
0x8: {  	s11 =	smul.u32 $0x28000, s0;
	s7 =	ssub.s32 $0x2, s7;
	s12 =	sshll.u32 s0, $0x6  }
0x9: {  	s1 =	sor.u32 s0, s1;
	s5 =	sand.u32 $0x380, s5;
	s31 =	sshrl.u32 s7, $0x1  }
0xa: {  	s1 =	sshrl.u32 s1, $0x3;
	s6 =	sor.u32 s6, s30;
	s11 =	sshrl.u32 s11, $0x2  }
0xb: {  	s13 =	ssub.s32 s7, s31;
	s7 =	sor.u32 $0x1C01, s12;
	s4 =	smul.u32 $0x14000, s1  }
0xc: {  	s1 =	rddreg [dreg:$0x2];
	_ =	strace $0x8000004A;
	s10 =	sshrl.u32 s6, $0x3  }
0xd: {  	s6 =	sadd.s32 $0x16400, s8;
	s14 =	sadd.s32 s11, s2;
	s11 =	smax.u32 s13, $0x1  }
0xe: {  	s13 =	simm.s32 $0x1;
	s10 =	sadd.s32 s10, s8;
	s4 =	sor.u32 s5, s4  }
0xf: {  	s12 =	sshrl.u32 s14, $0x3;
	s14 =	simm.s32 $0xA000;
	s4 =	sshrl.u32 s4, $0x3  }
0x10: {  	s5 =	sadd.s32 $0x15E00, s8;
	s10 =	sadd.s32 $0x3EE00, s10;
	s9 =	sadd.s32 s4, s8  }
0x11: {  	s4 =	sadd.s32 $0x3E800, s8;
	s8 =	sadd.s32 $0x34800, s9;
	s9 =	sadd.s32 $0x2A800, s9  }
.LBB2_1:
0x12: {  	[spmem:s12], [sflag:s7] =	dma.local [hbm:s6], $0x1400  }
0x13: {  	_ =	swait.ge [sflag:s13], $0x1400  }
0x14: {  	[sflag:s13] =	ssyncset.done $0x0  }
0x15: {  	[sflag:s13] =	ssyncadd.s32 $0xFFFFEC00  }
0x16: {  	[tilespmem:s14], [sflag:$0x1] =	stream.linear.gather [hbm4b:s4+s3], $0x2800, $0x38;
	[tilespmem:$0x19000] =	vst v63  }
0x17: {  	_ =	swait.ge [sflag:s13], $0x2800  }
0x18: {  	[sflag:s13] =	ssyncset.done $0x0  }
0x19: {  	[sflag:s13] =	ssyncadd.s32 $0xFFFFD800  }
0x1a: {  	[tilespmem:s15], [sflag:$0x1] =	stream.linear.gather [hbm4b:s5+s3], $0x2800, $0x38;
	[tilespmem:$0x19000] =	vst v63  }
0x1b: {  	_ =	swait.ge [sflag:s13], $0x2800  }
0x1c: {  	[sflag:s13] =	ssyncset.done $0x0  }
0x1d: {  	[sflag:s13] =	ssyncadd.s32 $0xFFFFD800  }
0x1e: {  	[tilespmem:s18], [sflag:$0x1] =	stream.strided.gather [hbm4b:s8+s16], $0x2800, s17, s16, $0x38;
	[tilespmem:$0x19000] =	vst v63  }
0x1f: {  	_ =	swait.ge [sflag:s13], $0x2800  }
0x20: {  	[sflag:s13] =	ssyncset.done $0x0  }
0x21: {  	[sflag:s13] =	ssyncadd.s32 $0xFFFFD800  }
0x22: {  	[tilespmem:s19], [sflag:$0x1] =	stream.strided.gather [hbm4b:s9+s16], $0x2800, s17, s16, $0x38;
	[tilespmem:$0x19000] =	vst v63  }
0x23: {  	_ =	swait.ge [sflag:s13], $0x2800  }
0x24: {  	[sflag:s13] =	ssyncset.done $0x0  }
0x25: {  	[sflag:s13] =	ssyncadd.s32 $0xFFFFD800  }
0x26: {  	s23 =	simm.s32 $0x0;
	[bflag:$0x0] =	sbarrier.arrive $0xFFFF  }
0x27: {  	v0 =	vld [tilespmem:s23+$0xF000];
	_ =	sdelay $0x5  }
0x28: {  	v1 =	vld [tilespmem:s23+$0x11800]  }
0x29: {  	v3 =	vld [tilespmem:s23+$0xF010]  }
0x2a: {  	v2 =	vld.idx.msk [tilespmem:v0+s14+$0x0], $0xffff  }
0x2b: {  	v0 =	vld.idx.msk [tilespmem:v0+s15+$0x0], $0xffff;
	_ =	sdelay $0x3  }
0x2c: {  	v1 =	vshll.u32 v1, $0x6  }
0x2d: {  	v1 =	vadd.s32 v2, v1;
	[tilespmem:s23+$0x16800] =	vst v0;
	v0 =	vld [tilespmem:s23+$0x11810]  }
0x2e: {  	[tilespmem:s23+$0x14000] =	vst v1;
	v1 =	vld [tilespmem:s23+$0xF020]  }
0x2f: {  	v2 =	vld.idx.msk [tilespmem:v3+s14+$0x0], $0xffff  }
0x30: {  	v3 =	vld.idx.msk [tilespmem:v3+s15+$0x0], $0xffff;
	_ =	sdelay $0x3  }
0x31: {  	v0 =	vshll.u32 v0, $0x6  }
0x32: {  	v0 =	vadd.s32 v2, v0;
	[tilespmem:s23+$0x16810] =	vst v3;
	v2 =	vld [tilespmem:s23+$0xF030]  }
0x33: {  	[tilespmem:s23+$0x14010] =	vst v0;
	v0 =	vld [tilespmem:s23+$0x11820]  }
0x34: {  	v3 =	vld.idx.msk [tilespmem:v1+s14+$0x0], $0xffff  }
0x35: {  	v1 =	vld.idx.msk [tilespmem:v1+s15+$0x0], $0xffff;
	_ =	sdelay $0x3  }
0x36: {  	v0 =	vshll.u32 v0, $0x6  }
0x37: {  	v0 =	vadd.s32 v3, v0;
	v3 =	vld [tilespmem:s23+$0x11830];
	[tilespmem:s23+$0x16820] =	vst v1  }
0x38: {  	v1 =	vld [tilespmem:s23+$0xF040];
	[tilespmem:s23+$0x14020] =	vst v0  }
0x39: {  	v0 =	vld.idx.msk [tilespmem:v2+s14+$0x0], $0xffff  }
0x3a: {  	v2 =	vld.idx.msk [tilespmem:v2+s15+$0x0], $0xffff;
	_ =	sdelay $0x3  }
0x3b: {  	v3 =	vshll.u32 v3, $0x6  }
0x3c: {  	v4 =	vld [tilespmem:s23+$0x11840];
	v0 =	vadd.s32 v0, v3;
	[tilespmem:s23+$0x16830] =	vst v2  }
0x3d: {  	[tilespmem:s23+$0x14030] =	vst v0;
	v0 =	vld [tilespmem:s23+$0xF050]  }
0x3e: {  	v2 =	vld.idx.msk [tilespmem:v1+s14+$0x0], $0xffff  }
0x3f: {  	v1 =	vld.idx.msk [tilespmem:v1+s15+$0x0], $0xffff;
	_ =	sdelay $0x3  }
0x40: {  	v3 =	vshll.u32 v4, $0x6  }
0x41: {  	v61 =	vld [tilespmem:s23+$0x11850];
	v2 =	vadd.s32 v2, v3;
	[tilespmem:s23+$0x16840] =	vst v1  }
0x42: {  	[tilespmem:s23+$0x14040] =	vst v2;
	v2 =	vld [tilespmem:s23+$0xF060]  }
0x43: {  	v1 =	vld.idx.msk [tilespmem:v0+s14+$0x0], $0xffff  }
0x44: {  	v0 =	vld.idx.msk [tilespmem:v0+s15+$0x0], $0xffff;
	_ =	sdelay $0x3  }
0x45: {  	v3 =	vshll.u32 v61, $0x6  }
0x46: {  	v62 =	vld [tilespmem:s23+$0x11860];
	v1 =	vadd.s32 v1, v3;
	[tilespmem:s23+$0x16850] =	vst v0  }
0x47: {  	v0 =	vld [tilespmem:s23+$0xF070];
	[tilespmem:s23+$0x14050] =	vst v1  }
0x48: {  	v1 =	vld.idx.msk [tilespmem:v2+s14+$0x0], $0xffff  }
0x49: {  	v2 =	vld.idx.msk [tilespmem:v2+s15+$0x0], $0xffff;
	_ =	sdelay $0x2  }
0x4a: {  	v63 =	vld [tilespmem:s23+$0x11870]  }
0x4b: {  	v3 =	vshll.u32 v62, $0x6  }
0x4c: {  	v1 =	vadd.s32 v1, v3;
	[tilespmem:s23+$0x16860] =	vst v2  }
0x4d: {  	[tilespmem:s23+$0x14060] =	vst v1  }
0x4e: {  	v2 =	vld.idx.msk [tilespmem:v0+s14+$0x0], $0xffff  }
0x4f: {  	s24 =	simm.s32 $0x200;
	v1 =	vshll.u32 v63, $0x6;
	v0 =	vld.idx.msk [tilespmem:v0+s15+$0x0], $0xffff  }
.LBB2_2:
0x50: {  	_ = 	snop  }
0x51: {  	p0 =	sne.s32 s24, $0x9E00;
	s25 =	smov.u32 s24;
	s24 =	sadd.s32 $0x200, s24  }
0x52: {  	_ = 	snop  }
0x53: {  	v1 =	vadd.s32 v2, v1  }
0x54: {  	s26 =	sadd.s32 $0x14000, s23;
	s28 =	sadd.s32 $0x16800, s23;
	[tilespmem:s23+$0x14070] =	vst v1  }
0x55: {  	[tilespmem:s23+$0x16870] =	vst v0  }
0x56: {  	[spmem:s2] =	stream.indirect.scatter.add.f32 [tilespmem:s28], [sflag:$0x1], $0x1, s26, s16, $0xb8;
	[tilespmem:$0x19000] =	vst v63  }
0x57: {  	_ =	swait.ge [sflag:s13], $0x80  }
0x58: {  	[sflag:s13] =	ssyncset.done $0x0  }
0x59: {  	s23 =	sshra.s32 s25, $0x2;
	[sflag:s13] =	ssyncadd.s32 $0xFFFFFF80  }
0x5a: {  	v0 =	vld [tilespmem:s23+$0xF000];
	_ =	sdelay $0x5  }
0x5b: {  	v1 =	vld [tilespmem:s23+$0xF010]  }
0x5c: {  	v2 =	vld [tilespmem:s23+$0x11800]  }
0x5d: {  	v3 =	vld.idx.msk [tilespmem:v0+s14+$0x0], $0xffff  }
0x5e: {  	v0 =	vld.idx.msk [tilespmem:v0+s15+$0x0], $0xffff;
	_ =	sdelay $0x3  }
0x5f: {  	v2 =	vshll.u32 v2, $0x6  }
0x60: {  	v2 =	vadd.s32 v3, v2  }
0x61: {  	[tilespmem:s23+$0x14000] =	vst v2;
	v2 =	vld [tilespmem:s23+$0xF020]  }
0x62: {  	[tilespmem:s23+$0x16800] =	vst v0;
	v0 =	vld [tilespmem:s23+$0x11810]  }
0x63: {  	v3 =	vld.idx.msk [tilespmem:v1+s14+$0x0], $0xffff  }
0x64: {  	v1 =	vld.idx.msk [tilespmem:v1+s15+$0x0], $0xffff;
	_ =	sdelay $0x2  }
0x65: {  	v0 =	vshll.u32 v0, $0x6;
	_ =	sdelay $0x1  }
0x66: {  	v0 =	vadd.s32 v3, v0  }
0x67: {  	[tilespmem:s23+$0x14010] =	vst v0;
	v0 =	vld [tilespmem:s23+$0x11820]  }
0x68: {  	[tilespmem:s23+$0x16810] =	vst v1;
	v1 =	vld [tilespmem:s23+$0xF030]  }
0x69: {  	v3 =	vld.idx.msk [tilespmem:v2+s14+$0x0], $0xffff  }
0x6a: {  	v2 =	vld.idx.msk [tilespmem:v2+s15+$0x0], $0xffff;
	_ =	sdelay $0x1  }
0x6b: {  	v0 =	vshll.u32 v0, $0x6;
	_ =	sdelay $0x2  }
0x6c: {  	v0 =	vadd.s32 v3, v0;
	v3 =	vld [tilespmem:s23+$0x11830]  }
0x6d: {  	[tilespmem:s23+$0x14020] =	vst v0  }
0x6e: {  	[tilespmem:s23+$0x16820] =	vst v2;
	v0 =	vld [tilespmem:s23+$0xF040]  }
0x6f: {  	v2 =	vld.idx.msk [tilespmem:v1+s14+$0x0], $0xffff  }
0x70: {  	v1 =	vld.idx.msk [tilespmem:v1+s15+$0x0], $0xffff  }
0x71: {  	v3 =	vshll.u32 v3, $0x6;
	_ =	sdelay $0x2  }
0x72: {  	v4 =	vld [tilespmem:s23+$0x11840]  }
0x73: {  	v2 =	vadd.s32 v2, v3  }
0x74: {  	[tilespmem:s23+$0x14030] =	vst v2  }
0x75: {  	[tilespmem:s23+$0x16830] =	vst v1;
	v1 =	vld [tilespmem:s23+$0xF050]  }
0x76: {  	v2 =	vld.idx.msk [tilespmem:v0+s14+$0x0], $0xffff  }
0x77: {  	v0 =	vld.idx.msk [tilespmem:v0+s15+$0x0], $0xffff;
	v3 =	vshll.u32 v4, $0x6;
	_ =	sdelay $0x2  }
0x78: {  	v4 =	vld [tilespmem:s23+$0x11850];
	_ =	sdelay $0x1  }
0x79: {  	v2 =	vadd.s32 v2, v3  }
0x7a: {  	[tilespmem:s23+$0x14040] =	vst v2  }
0x7b: {  	[tilespmem:s23+$0x16840] =	vst v0;
	v0 =	vld [tilespmem:s23+$0xF060]  }
0x7c: {  	v2 =	vld.idx.msk [tilespmem:v1+s14+$0x0], $0xffff;
	v3 =	vshll.u32 v4, $0x6  }
0x7d: {  	v1 =	vld.idx.msk [tilespmem:v1+s15+$0x0], $0xffff;
	_ =	sdelay $0x1  }
0x7e: {  	v4 =	vld [tilespmem:s23+$0x11860];
	_ =	sdelay $0x2  }
0x7f: {  	v2 =	vadd.s32 v2, v3  }
0x80: {  	[tilespmem:s23+$0x14050] =	vst v2  }
0x81: {  	[tilespmem:s23+$0x16850] =	vst v1;
	v1 =	vshll.u32 v4, $0x6;
	v3 =	vld [tilespmem:s23+$0xF070]  }
0x82: {  	v2 =	vld.idx.msk [tilespmem:v0+s14+$0x0], $0xffff  }
0x83: {  	v0 =	vld.idx.msk [tilespmem:v0+s15+$0x0], $0xffff  }
0x84: {  	v4 =	vld [tilespmem:s23+$0x11870];
	_ =	sdelay $0x3  }
.Ltmp0:
0x85: {  	v1 =	vadd.s32 v2, v1;
	(pc) =	sbr.rel @p0 .LBB2_2-.Ltmp0, $4  }
0x86: {  	[tilespmem:s23+$0x14060] =	vst v1;
	v1 =	vshll.u32 v4, $0x6  }
0x87: {  	[tilespmem:s23+$0x16860] =	vst v0  }
0x88: {  	v2 =	vld.idx.msk [tilespmem:v3+s14+$0x0], $0xffff  }
0x89: {  	v0 =	vld.idx.msk [tilespmem:v3+s15+$0x0], $0xffff  }
0x8a: {  	_ =	sdelay $0x2  }
0x8b: {  	v1 =	vadd.s32 v2, v1  }
0x8c: {  	[tilespmem:s23+$0x14070] =	vst v1  }
0x8d: {  	s24 =	sadd.s32 $0x14000, s23;
	s25 =	sadd.s32 $0x16800, s23;
	[tilespmem:s23+$0x16870] =	vst v0  }
0x8e: {  	[spmem:s2] =	stream.indirect.scatter.add.f32 [tilespmem:s25], [sflag:$0x1], $0x1, s24, s16, $0xb8;
	[tilespmem:$0x19000] =	vst v63  }
0x8f: {  	_ =	swait.ge [sflag:s13], $0x80  }
0x90: {  	s22 =	sadd.s32 $0x1, s22;
	[sflag:s13] =	ssyncset.done $0x0  }
0x91: {  	p0 =	sne.s32 s22, s11;
	[sflag:s13] =	ssyncadd.s32 $0xFFFFFF80  }
.Ltmp1:
0x92: {  	[bflag:$0x0] =	sbarrier.arrive $0xFFFF;
	(pc) =	sbr.rel @p0 .LBB2_1-.Ltmp1, $4  }
0x93: {  	[hbm:s10@s20], [sflag:s7] =	dma.strided [spmem:s12@s21], $0x1400, s13, $0x10   }
0x94: {  	_ =	swait.ge [sflag:s13], $0x1400  }
0x95: {  	[sflag:s13] =	ssyncset.done $0x0  }
0x96: {  	[sflag:s13] =	ssyncadd.s32 $0xFFFFEC00  }
0x97: {  	_ =	sfence.sel $0x180000  }
0x98: {  	[bflag:$0x0] =	sbarrier.arrive $0xFFFF  }
0x99: {  	p0 =	sne.s32 s0, $0x0;
	_ =	strace $0x9000004A  }
0x9a: {  	s0 =	sadd.s32 @!p0 $0x100000, s1;
	[bflag:$0x2] =	sbarrier.arrive $0xFFFF  }
0x9b: {  	[sflag:s0] =	ssyncadd.tile.s32 @!p0 $0x1;
	_ =	shalt  }
.Lfunc_end2:
_tile_overlayer_lowered:
.L_overlay_start_2:
0x9c: {  	(tag) =	ssettag $0x2  }
0x9d: {  	s0 =	rddreg [dreg:$0x0];
	s2 =	stileid.u32  }
0x9e: {  	s1 =	rddreg [dreg:$0x1];
	p0 =	sne.s32 s2, $0x0  }
0x9f: {  	s3 =	rddreg [dreg:$0x2];
	[bflag:$0x3] =	sbarrier.arrive $0xFFFF;
	s2 =	simm.s32 @!p0 $0x1C01  }
0xa0: {  	[timem:s3], [sflag:s2] =	dma.local @!p0 [hbm:s0], s1  }
0xa1: {  	s0 =	simm.s32 @!p0 $0x1  }
0xa2: {  	_ =	swait.ge @!p0 [sflag:s0], s1  }
0xa3: {  	s1 =	ssub.s32 @!p0 $0x0, s1;
	[sflag:s0] =	ssyncset.done @!p0 $0x0  }
0xa4: {  	[sflag:s0] =	ssyncadd.s32 @!p0 s1  }
0xa5: {  	[bflag:$0x3] =	sbarrier.arrive $0xFFFF  }
0xa6: {  	_ =	shalt  }

// kernel: kernel.14.cloned.1.call-start
scs
__scs_entry_jumppad:
0x0: {  	(pc) =	sbr.rel $0x88, $3  }
0x1: {  	(tag) =	ssettag $0x0;
	lr =	simm.s32 $0x1  }
0x2: {  	[smem:$0x3F9A] =	sst lr;
	_ =	strace $0xD0000000  }
0x3: {  	_ = 	snop  }
0x4: {  	_ = 	snop  }
0x5: {  	_ = 	snop  }
0x6: {  	_ = 	snop  }
0x7: {  	_ = 	snop  }
__scs_overlays_trampoline_lowered:
0x8: {  	[smem:$0x3FA9] =	sst s0  }
0x9: {  	[smem:$0x3FAA] =	sst s1  }
0xa: {  	[smem:$0x3FAB] =	sst s2  }
0xb: {  	[smem:$0x3FAC] =	sst s3  }
0xc: {  	[smem:$0x3FAD] =	sst s4  }
0xd: {  	[smem:$0x3FAE] =	sst s5  }
0xe: {  	[smem:$0x3FAF] =	sst s6  }
0xf: {  	[smem:$0x3FB0] =	sst s7  }
0x10: {  	[smem:$0x3FB1] =	sst s8  }
0x11: {  	[smem:$0x3FB2] =	sst s9;
	s0 =	simm.s32 @!p0 $0x0  }
0x12: {  	s1 =	sld [smem:$0x3F98];
	s0 =	simm.s32 @p0 $0x1  }
0x13: {  	[smem:$0x3FB3] =	sst s0;
	s0 =	simm.s32 @!p1 $0x0  }
0x14: {  	s2 =	sld [smem:$0x3F97];
	s0 =	simm.s32 @p1 $0x1  }
0x15: {  	[smem:$0x3FB4] =	sst s0;
	s0 =	simm.s32 @!p2 $0x0  }
0x16: {  	s3 =	sld [smem:$0x3FDB];
	s0 =	simm.s32 @p2 $0x1  }
0x17: {  	s4 =	simm.s32 $0x1BF5;
	[smem:$0x3FB6] =	sst s0  }
0x18: {  	s0 =	sld [smem:$0x3F99];
	_ =	swait.ge [sflag:s4], $0x0  }
0x19: {  	s7 =	sld [smem:$0x3F9A]  }
0x1a: {  	s8 =	sadd.s32 $0xFFFFE003, lr  }
0x1b: {  	s9 =	sadd.s32 $0xFFFFFEF7, lr;
	s5 =	simm.s32 $0xFFFFFFFF;
	p2 =	slt.u32 s8, $0xFFFFF086  }
0x1c: {  	p1 =	slt.u32 s9, $0xF7A;
	s5 =	simm.s32 @!p2 $0x0  }
0x1d: {  	s5 =	simm.s32 @p1 $0x1;
	p0 =	seq.s32 s7, s2  }
0x1e: {  	s7 =	smul.u32 @!p0 $0xF7A, s2;
	p2 =	seq.s32 @!p0 s5, $0x0  }
0x1f: {  	s9 =	smul.u32 $0xF7A, s1;
	s8 =	simm.s32 @!p0 $0x1BF5;
	p2 =	por !p2, p0  }
0x20: {  	[sflag:s8] =	ssyncset.s32 @!p0 $0xFFFFF086;
	s6 =	sadd.s32 @!p0 s3, s7;
	s7 =	simm.s32 @!p0 $0x108  }
0x21: {  	s3 =	sadd.s32 s3, s9;
	s6 =	sadd.s32 @!p0 $0x88, s6;
	s7 =	simm.s32 @p2 $0x1082  }
0x22: {  	[simem:s7], [sflag:s8] =	dma.local @!p0 [hbm:s6], $0xF7A  }
0x23: {  	s9 =	sor.u32 $0xD0000000, s2;
	s6 =	simm.s32 $0x108;
	_ =	swait.ge @!p0 [sflag:s8], $0x0  }
0x24: {  	s3 =	sadd.s32 $0x88, s3;
	s6 =	simm.s32 @!p1 $0x1082;
	[sflag:s4] =	ssyncset.s32 $0xFFFFF086  }
0x25: {  	[simem:s6], [sflag:s4] =	dma.local [hbm:s3], $0xF7A  }
0x26: {  	[smem:$0x3F9A] =	sst s1;
	(tag) =	ssettag s2;
	_ =	strace s9  }
0x27: {  	s1 =	sld [smem:$0x3FAA]  }
0x28: {  	s2 =	sld [smem:$0x3FAB]  }
0x29: {  	s4 =	sld [smem:$0x3FAD]  }
0x2a: {  	p0 =	seq.s32 s5, $0x0;
	s5 =	sld [smem:$0x3FAE]  }
0x2b: {  	s6 =	sld [smem:$0x3FAF]  }
0x2c: {  	s7 =	sld [smem:$0x3FB0]  }
0x2d: {  	s3 =	simm.s32 $0x108;
	s8 =	sld [smem:$0x3FB1]  }
0x2e: {  	s3 =	simm.s32 @!p0 $0x1082;
	s9 =	sld [smem:$0x3FB2]  }
0x2f: {  	lr =	sadd.s32 s0, s3;
	s0 =	sld [smem:$0x3FA9]  }
0x30: {  	s3 =	sld [smem:$0x3FAC]  }
0x31: {  	[smem:$0x3FB5] =	sst s10  }
0x32: {  	s10 =	sld [smem:$0x3FB3];
	_ =	sdelay $0x3  }
0x33: {  	p0 =	seq.s32 s10, $0x1;
	s10 =	sld [smem:$0x3FB5];
	_ =	sdelay $0x3  }
0x34: {  	[smem:$0x3FB5] =	sst s10  }
0x35: {  	s10 =	sld [smem:$0x3FB4];
	_ =	sdelay $0x3  }
0x36: {  	p1 =	seq.s32 s10, $0x1;
	s10 =	sld [smem:$0x3FB5];
	_ =	sdelay $0x3  }
0x37: {  	[smem:$0x3FB5] =	sst s10  }
0x38: {  	s10 =	sld [smem:$0x3FB6]  }
0x39: {  	_ = 	snop;
	(pc) =	sbr.ind lr, $3  }
0x3a: {  	_ = 	snop  }
0x3b: {  	_ = 	snop  }
0x3c: {  	p2 =	seq.s32 s10, $0x1;
	s10 =	sld [smem:$0x3FB5]  }
0x3d: {  	_ =	shalt  }
0x3e: {  	_ =	shalt  }
0x3f: {  	_ =	shalt  }
0x40: {  	_ =	shalt  }
0x41: {  	_ =	shalt  }
0x42: {  	_ =	shalt  }
0x43: {  	_ =	shalt  }
0x44: {  	_ =	shalt  }
0x45: {  	_ =	shalt  }
0x46: {  	_ =	shalt  }
0x47: {  	_ =	shalt  }
0x48: {  	_ =	shalt  }
0x49: {  	_ =	shalt  }
0x4a: {  	_ =	shalt  }
0x4b: {  	_ =	shalt  }
0x4c: {  	_ =	shalt  }
0x4d: {  	_ =	shalt  }
0x4e: {  	_ =	shalt  }
0x4f: {  	_ =	shalt  }
0x50: {  	_ =	shalt  }
0x51: {  	_ =	shalt  }
0x52: {  	_ =	shalt  }
0x53: {  	_ =	shalt  }
0x54: {  	_ =	shalt  }
0x55: {  	_ =	shalt  }
0x56: {  	_ =	shalt  }
0x57: {  	_ =	shalt  }
0x58: {  	_ =	shalt  }
0x59: {  	_ =	shalt  }
0x5a: {  	_ =	shalt  }
0x5b: {  	_ =	shalt  }
0x5c: {  	_ =	shalt  }
0x5d: {  	_ =	shalt  }
0x5e: {  	_ =	shalt  }
0x5f: {  	_ =	shalt  }
0x60: {  	_ =	shalt  }
0x61: {  	_ =	shalt  }
0x62: {  	_ =	shalt  }
0x63: {  	_ =	shalt  }
0x64: {  	_ =	shalt  }
0x65: {  	_ =	shalt  }
0x66: {  	_ =	shalt  }
0x67: {  	_ =	shalt  }
0x68: {  	_ =	shalt  }
0x69: {  	_ =	shalt  }
0x6a: {  	_ =	shalt  }
0x6b: {  	_ =	shalt  }
0x6c: {  	_ =	shalt  }
0x6d: {  	_ =	shalt  }
0x6e: {  	_ =	shalt  }
0x6f: {  	_ =	shalt  }
0x70: {  	_ =	shalt  }
0x71: {  	_ =	shalt  }
0x72: {  	_ =	shalt  }
0x73: {  	_ =	shalt  }
0x74: {  	_ =	shalt  }
0x75: {  	_ =	shalt  }
0x76: {  	_ =	shalt  }
0x77: {  	_ =	shalt  }
0x78: {  	_ =	shalt  }
0x79: {  	_ =	shalt  }
0x7a: {  	_ =	shalt  }
0x7b: {  	_ =	shalt  }
0x7c: {  	_ =	shalt  }
0x7d: {  	_ =	shalt  }
0x7e: {  	_ =	shalt  }
0x7f: {  	_ =	shalt  }
0x80: {  	_ =	shalt  }
0x81: {  	_ =	shalt  }
0x82: {  	_ =	shalt  }
0x83: {  	_ =	shalt  }
0x84: {  	_ =	shalt  }
0x85: {  	_ =	shalt  }
0x86: {  	_ =	shalt  }
0x87: {  	_ =	shalt  }
.Lfunc_end0:
.L_simem_size_0:
called_computation.2_lowered:
.L_overlay_start_0:
0x88: {  	s2 =	sld [smem:$0x3FD9]  }
0x89: {  	s3 =	sld [smem:$0x3FFE];
	_ =	sdelay $0x1  }
0x8a: {  	s1 =	srdreg.scid  }
0x8b: {  	s0 =	sand.u32 $0x1, s1  }
0x8c: {  	s16 =	sshll.u32 s0, $0xA;
	s2 =	sadd.s32 s3, s2  }
0x8d: {  	s2 =	sadd.s32 s2, s16  }
0x8e: {  	[smem:$0x3FC1] =	sst s2  }
0x8f: {  	_ = 	snop  }
0x90: {  	(tm) =	ssettm $0x1  }
0x91: {  	s17 =	sld [smem:$0x3FFB];
	_ =	sdelay $0x3  }
0x92: {  	_ =	strace s17  }
0x93: {  	s2 =	sld [smem:$0x3FFC];
	_ =	sdelay $0x3  }
0x94: {  	_ =	strace s2  }
0x95: {  	s2 =	sld [smem:$0x3FFD];
	_ =	sdelay $0x3  }
0x96: {  	_ =	strace s2  }
0x97: {  	_ =	strace $0x8FFFFFFF  }
0x98: {  	s18 =	sld [smem:$0x3FDB];
	_ =	sdelay $0x1  }
0x99: {  	s19 =	simm.s32 $_scs_section_size  }
0x9a: {  	s4 =	simm.s32 $_size__tile_overlayer_lowered;
	s5 =	simm.s32 $_tile_overlayer_lowered  }
0x9b: {  	s22 =	simm.s32 $0x1BFF;
	s21 =	sshll.u32 s5, $0x1;
	s2 =	sadd.s32 s19, s18  }
0x9c: {  	s6 =	simm.s32 $0x0;
	s20 =	sshll.u32 s4, $0x1;
	s4 =	sadd.s32 s21, s2  }
0x9d: {  	[timem:s6], [sflag:s22] =	dma.local [hbm:s4], s20  }
0x9e: {  	_ =	swait.ge [sflag:s22], s20  }
0x9f: {  	s3 =	ssub.s32 $0x0, s20;
	[sflag:s22] =	ssyncset.done $0x0  }
0xa0: {  	[sflag:s22] =	ssyncadd.s32 s3;
	_ =	sdelay $0x1  }
0xa1: {  	s23 =	simm.s32 $0x1B8B  }
0xa2: {  	_ =	swait.ge [sflag:s23], $0x1  }
0xa3: {  	[sflag:s23] =	ssyncset.done $0x0  }
0xa4: {  	s25 =	simm.s32 $0x1B8E;
	s24 =	sld [smem:$0x3FFE];
	[sflag:s23] =	ssyncadd.s32 $0xFFFFFFFF  }
0xa5: {  	s26 =	simm.s32 $execute0_lowered;
	[smem:$0x3FD2] =	sst s25  }
0xa6: {  	s4 =	sshll.u32 s26, $0x1;
	_ =	strace $0x8000004C;
	[dreg:$0x1] =	wrdreg $0xFFFFFFFF  }
0xa7: {  	s28 =	simm.s32 $_size_execute0_lowered;
	s2 =	sadd.s32 s2, s4;
	[dreg:$0x0] =	wrdreg $0x0  }
0xa8: {  	s4 =	sshll.u32 s28, $0x1;
	[dreg:$0x2] =	wrdreg s2  }
0xa9: {  	[dreg:$0x3] =	wrdreg s4  }
0xaa: {  	[dreg:$0x4] =	wrdreg $0xC0  }
0xab: {  	_ =	task [dreg:s6], $0x5FFFF  }
0xac: {  	[dreg:$0x1] =	wrdreg $0xFFFFFFFF  }
0xad: {  	[dreg:$0x0] =	wrdreg $0x60  }
0xae: {  	[dreg:$0x2] =	wrdreg s24  }
0xaf: {  	[dreg:$0x3] =	wrdreg $0x0  }
0xb0: {  	[dreg:$0x4] =	wrdreg $0x9  }
0xb1: {  	_ =	task.clear_ibuf [dreg:s6], $0x5FFFF;
	_ =	strace $0x9000004C  }
0xb2: {  	s29 =	simm.s32 $0x9;
	_ =	strace $0x8000004E  }
0xb3: {  	_ =	swait.ge [sflag:s29], $0x1  }
0xb4: {  	[sflag:s29] =	ssyncadd.s32 $0xFFFFFFFF  }
0xb5: {  	_ =	strace $0x9000004E  }
0xb6: {  	_ =	sfence  }
0xb7: {  	s30 =	sld [smem:$0x0];
	_ =	sdelay $0x2  }
0xb8: {  	s31 =	sshll.u32 s1, $0xD;
	s1 =	sshrl.u32 s1, $0x2  }
0xb9: {  	s3 =	sand.u32 $0x4000, s31;
	s1 =	sadd.s32 s1, s30  }
0xba: {  	s0 =	sor.u32 s3, s0;
	s1 =	sshll.u32 s1, $0x11  }
0xbb: {  	s0 =	sor.u32 s1, s0  }
0xbc: {  	s0 =	sadd.s32 $0x8F2B, s0  }
0xbd: {  	[sflag:s0] =	ssyncadd.remote.s32 $0x1  }
0xbe: {  	_ =	sfence.sel $0xFFFF  }
0xbf: {  	[dreg:$0x0] =	wrdreg $0xFFFFFFFF;
	(pc) =	sbr.abs _section_cstart, $3  }
0xc0: {  	[dreg:$0x1] =	wrdreg $0xFFFFFFFF  }
0xc1: {  	_ =	task.clear_ibuf [dreg:s6], $0x2FFFF;
	_ =	strace $0x9FFFFFFF  }
0xc2: {  	(tm) =	ssettm $0x7FFFFFFF  }
0xc3: {  	_ =	shalt  }
tec
execute0_lowered:
.L_overlay_start_1:
0x0: {  	(tag) =	ssettag $0x1  }
0x1: {  	s6 =	rddreg [dreg:$0x0]  }
0x2: {  	s1 =	rddreg [dreg:$0x1]  }
0x3: {  	s2 =	srdreg.scid;
	s0 =	rddreg [dreg:$0x2];
	s3 =	simm.s32 $0x0  }
0x4: {  	s16 =	simm.s32 $0x15400;
	s17 =	simm.s32 $0x80;
	s18 =	simm.s32 $0x16800  }
0x5: {  	s19 =	simm.s32 $0x1A800;
	s20 =	simm.s32 $0x1;
	s21 =	simm.s32 $0x2  }
0x6: {  	s22 =	simm.s32 $0x15380;
	s23 =	simm.s32 $0x16700;
	s24 =	simm.s32 $0x16780  }
0x7: {  	s25 =	simm.s32 $0x0;
	s7 =	sand.u32 $0x1, s2;
	s2 =	stileid.u32  }
0x8: {  	[smem:$0x7FF] =	sst s3;
	s11 =	sadd.s32 $0xBE00, s6;
	s4 =	smul.u32 $0x140000, s7  }
0x9: {  	s12 =	sadd.s32 $0x1E00, s6;
	s5 =	smul.u32 $0x14000, s2;
	_ =	strace $0x8000004D  }
0xa: {  	s9 =	ssub.s32 $0x2, s7;
	s7 =	sshll.u32 s7, $0x4;
	s10 =	smul.u32 $0x50000, s2  }
0xb: {  	s13 =	sshll.u32 s2, $0x6;
	s30 =	sshrl.u32 s9, $0x1;
	s7 =	sor.u32 s2, s7  }
0xc: {  	s8 =	sadd.s32 s5, s4;
	s4 =	sadd.s32 $0x15E00, s6;
	s5 =	sadd.s32 $0x3DE00, s6  }
0xd: {  	s10 =	sshrl.u32 s10, $0x2;
	s14 =	smul.u32 $0x2800, s7;
	s8 =	sshrl.u32 s8, $0x3  }
0xe: {  	s9 =	ssub.s32 s9, s30;
	s15 =	sadd.s32 s10, s1;
	s8 =	sadd.s32 s8, s6  }
0xf: {  	s6 =	sor.u32 $0x1C03, s13;
	s31 =	sshrl.u32 s14, $0x3;
	s14 =	simm.s32 $0x3  }
0x10: {  	s7 =	sadd.s32 $0x40600, s8;
	s8 =	smax.u32 s9, $0x1;
	s13 =	sadd.s32 $0x280, s31  }
0x11: {  	s9 =	sadd.s32 s11, s31;
	s10 =	sadd.s32 s12, s31;
	s11 =	sadd.s32 s11, s13  }
0x12: {  	s12 =	sadd.s32 s12, s13;
	s13 =	sshrl.u32 s15, $0x3;
	s15 =	simm.s32 $0x14000  }
.LBB2_1:
0x13: {  	[spmem:s13], [sflag:s6] =	dma.local [hbm:s5], $0x2800  }
0x14: {  	_ =	swait.ge [sflag:s14], $0x2800  }
0x15: {  	[sflag:s14] =	ssyncset.done $0x0  }
0x16: {  	[sflag:s14] =	ssyncadd.s32 $0xFFFFD800  }
0x17: {  	[bflag:$0x0] =	sbarrier.arrive $0xFFFF  }
0x18: {  	[tilespmem:s15], [sflag:$0x3] =	stream.linear.gather [hbm4b:s9+s3], $0x1400, $0x38;
	[tilespmem:$0x1E800] =	vst v63  }
0x19: {  	_ =	swait.ge [sflag:s14], $0x1400  }
0x1a: {  	[sflag:s14] =	ssyncset.done $0x0  }
0x1b: {  	[sflag:s14] =	ssyncadd.s32 $0xFFFFEC00  }
0x1c: {  	[tilespmem:s16], [sflag:$0x3] =	stream.linear.gather [hbm4b:s10+s3], $0x1400, $0x38;
	[tilespmem:$0x1E800] =	vst v63  }
0x1d: {  	_ =	swait.ge [sflag:s14], $0x1400  }
0x1e: {  	[sflag:s14] =	ssyncset.done $0x0  }
0x1f: {  	[sflag:s14] =	ssyncadd.s32 $0xFFFFEC00  }
0x20: {  	[tilespmem:s18], [sflag:$0x1] =	stream.indirect.gather [hbm4b:s4+s17], $0x80, s15, s17, $0xb8;
	[tilespmem:$0x1E800] =	vst v63  }
0x21: {  	s26 =	simm.s32 $0x14080  }
0x22: {  	[tilespmem:s19], [sflag:$0x2] =	stream.indirect.gather [hbm4b:s4+s17], $0x80, s26, s17, $0xb8;
	[tilespmem:$0x1E800] =	vst v63  }
0x23: {  	_ =	swait.ge [sflag:s20], $0x4000  }
0x24: {  	[sflag:s20] =	ssyncset.done $0x0  }
0x25: {  	s29 =	simm.s32 $0x15400;
	[sflag:s20] =	ssyncadd.s32 $0xFFFFC000  }
0x26: {  	[spmem:s1] =	stream.indirect.scatter.add.f32 [tilespmem:s18], [sflag:$0x3], $0x80, s29, s17, $0xb8;
	[tilespmem:$0x1E800] =	vst v63  }
0x27: {  	_ =	swait.ge [sflag:s14], $0x4000  }
0x28: {  	[sflag:s14] =	ssyncset.done $0x0  }
0x29: {  	s30 =	simm.s32 $0x14100;
	[sflag:s14] =	ssyncadd.s32 $0xFFFFC000  }
0x2a: {  	[tilespmem:s18], [sflag:$0x1] =	stream.indirect.gather [hbm4b:s4+s17], $0x80, s30, s17, $0xb8;
	[tilespmem:$0x1E800] =	vst v63  }
0x2b: {  	_ =	swait.ge [sflag:s21], $0x4000  }
0x2c: {  	[sflag:s21] =	ssyncset.done $0x0  }
0x2d: {  	s31 =	simm.s32 $0x15480;
	[sflag:s21] =	ssyncadd.s32 $0xFFFFC000  }
0x2e: {  	[spmem:s1] =	stream.indirect.scatter.add.f32 [tilespmem:s19], [sflag:$0x3], $0x80, s31, s17, $0xb8;
	[tilespmem:$0x1E800] =	vst v63  }
0x2f: {  	_ =	swait.ge [sflag:s14], $0x4000  }
0x30: {  	s28 =	simm.s32 $0x800;
	s26 =	simm.s32 $0x100;
	[sflag:s14] =	ssyncset.done $0x0  }
.LBB2_2:
0x31: {  	s29 =	sadd.s32 $0x14080, s26  }
0x32: {  	[sflag:s14] =	ssyncadd.s32 $0xFFFFC000;
	s30 =	smov.u32 s28;
	s31 =	sadd.s32 $0x400, s28  }
0x33: {  	[tilespmem:s19], [sflag:$0x2] =	stream.indirect.gather [hbm4b:s4+s17], $0x80, s29, s17, $0xb8;
	[tilespmem:$0x1E800] =	vst v63  }
0x34: {  	p0 =	sne.s32 s28, $0x4800;
	_ =	swait.ge [sflag:s20], $0x4000  }
0x35: {  	[sflag:s20] =	ssyncset.done $0x0  }
0x36: {  	s28 =	sadd.s32 $0x15400, s26;
	[sflag:s20] =	ssyncadd.s32 $0xFFFFC000  }
0x37: {  	[spmem:s1] =	stream.indirect.scatter.add.f32 [tilespmem:s18], [sflag:$0x3], $0x80, s28, s17, $0xb8;
	[tilespmem:$0x1E800] =	vst v63  }
0x38: {  	_ =	swait.ge [sflag:s14], $0x4000  }
0x39: {  	[sflag:s14] =	ssyncset.done $0x0  }
0x3a: {  	s28 =	sadd.s32 $0x14100, s26;
	[sflag:s14] =	ssyncadd.s32 $0xFFFFC000  }
0x3b: {  	[tilespmem:s18], [sflag:$0x1] =	stream.indirect.gather [hbm4b:s4+s17], $0x80, s28, s17, $0xb8;
	[tilespmem:$0x1E800] =	vst v63  }
0x3c: {  	_ =	swait.ge [sflag:s21], $0x4000  }
.Ltmp0:
0x3d: {  	[sflag:s21] =	ssyncset.done $0x0;
	(pc) =	sbr.rel @p0 .LBB2_2-.Ltmp0, $4  }
0x3e: {  	s26 =	sadd.s32 $0x15480, s26;
	[sflag:s21] =	ssyncadd.s32 $0xFFFFC000  }
0x3f: {  	[spmem:s1] =	stream.indirect.scatter.add.f32 [tilespmem:s19], [sflag:$0x3], $0x80, s26, s17, $0xb8;
	[tilespmem:$0x1E800] =	vst v63  }
0x40: {  	_ =	swait.ge [sflag:s14], $0x4000  }
0x41: {  	s28 =	smov.u32 s31;
	s26 =	sshra.s32 s30, $0x2;
	[sflag:s14] =	ssyncset.done $0x0  }
0x42: {  	s28 =	sadd.s32 $0x14080, s26;
	[sflag:s14] =	ssyncadd.s32 $0xFFFFC000  }
0x43: {  	[tilespmem:s19], [sflag:$0x2] =	stream.indirect.gather [hbm4b:s4+s17], $0x80, s28, s17, $0xb8;
	[tilespmem:$0x1E800] =	vst v63  }
0x44: {  	_ =	swait.ge [sflag:s20], $0x4000  }
0x45: {  	[sflag:s20] =	ssyncset.done $0x0  }
0x46: {  	s28 =	sadd.s32 $0x15400, s26;
	[sflag:s20] =	ssyncadd.s32 $0xFFFFC000  }
0x47: {  	[spmem:s1] =	stream.indirect.scatter.add.f32 [tilespmem:s18], [sflag:$0x3], $0x80, s28, s17, $0xb8;
	[tilespmem:$0x1E800] =	vst v63  }
0x48: {  	_ =	swait.ge [sflag:s14], $0x4000  }
0x49: {  	[sflag:s14] =	ssyncset.done $0x0  }
0x4a: {  	s28 =	sadd.s32 $0x14100, s26;
	[sflag:s14] =	ssyncadd.s32 $0xFFFFC000  }
0x4b: {  	[tilespmem:s18], [sflag:$0x1] =	stream.indirect.gather [hbm4b:s4+s17], $0x80, s28, s17, $0xb8;
	[tilespmem:$0x1E800] =	vst v63  }
0x4c: {  	_ =	swait.ge [sflag:s21], $0x4000  }
0x4d: {  	[sflag:s21] =	ssyncset.done $0x0  }
0x4e: {  	s29 =	sadd.s32 $0x15480, s26;
	[sflag:s21] =	ssyncadd.s32 $0xFFFFC000  }
0x4f: {  	[spmem:s1] =	stream.indirect.scatter.add.f32 [tilespmem:s19], [sflag:$0x3], $0x80, s29, s17, $0xb8;
	[tilespmem:$0x1E800] =	vst v63  }
0x50: {  	_ =	swait.ge [sflag:s14], $0x4000  }
0x51: {  	[sflag:s14] =	ssyncset.done $0x0  }
0x52: {  	[sflag:s14] =	ssyncadd.s32 $0xFFFFC000  }
0x53: {  	[tilespmem:s19], [sflag:$0x2] =	stream.indirect.gather [hbm4b:s4+s17], $0x80, s22, s17, $0xb8;
	[tilespmem:$0x1E800] =	vst v63  }
0x54: {  	_ =	swait.ge [sflag:s20], $0x4000  }
0x55: {  	[sflag:s20] =	ssyncset.done $0x0  }
0x56: {  	[sflag:s20] =	ssyncadd.s32 $0xFFFFC000  }
0x57: {  	[spmem:s1] =	stream.indirect.scatter.add.f32 [tilespmem:s18], [sflag:$0x3], $0x80, s23, s17, $0xb8;
	[tilespmem:$0x1E800] =	vst v63  }
0x58: {  	_ =	swait.ge [sflag:s14], $0x4000  }
0x59: {  	[sflag:s14] =	ssyncset.done $0x0  }
0x5a: {  	[sflag:s14] =	ssyncadd.s32 $0xFFFFC000  }
0x5b: {  	_ =	swait.ge [sflag:s21], $0x4000  }
0x5c: {  	[sflag:s21] =	ssyncset.done $0x0  }
0x5d: {  	[sflag:s21] =	ssyncadd.s32 $0xFFFFC000  }
0x5e: {  	[spmem:s1] =	stream.indirect.scatter.add.f32 [tilespmem:s19], [sflag:$0x3], $0x80, s24, s17, $0xb8;
	[tilespmem:$0x1E800] =	vst v63  }
0x5f: {  	_ =	swait.ge [sflag:s14], $0x4000  }
0x60: {  	[sflag:s14] =	ssyncset.done $0x0  }
0x61: {  	s30 =	simm.s32 $0x0;
	[sflag:s14] =	ssyncadd.s32 $0xFFFFC000  }
0x62: {  	[tilespmem:s15], [sflag:$0x3] =	stream.linear.gather [hbm4b:s11+s30], $0x1400, $0x38;
	[tilespmem:$0x1E800] =	vst v63  }
0x63: {  	_ =	swait.ge [sflag:s14], $0x1400  }
0x64: {  	[sflag:s14] =	ssyncset.done $0x0  }
0x65: {  	[sflag:s14] =	ssyncadd.s32 $0xFFFFEC00  }
0x66: {  	[tilespmem:s16], [sflag:$0x3] =	stream.linear.gather [hbm4b:s12+s30], $0x1400, $0x38;
	[tilespmem:$0x1E800] =	vst v63  }
0x67: {  	_ =	swait.ge [sflag:s14], $0x1400  }
0x68: {  	[sflag:s14] =	ssyncset.done $0x0  }
0x69: {  	[sflag:s14] =	ssyncadd.s32 $0xFFFFEC00  }
0x6a: {  	[tilespmem:s18], [sflag:$0x1] =	stream.indirect.gather [hbm4b:s4+s17], $0x80, s15, s17, $0xb8;
	[tilespmem:$0x1E800] =	vst v63  }
0x6b: {  	s31 =	simm.s32 $0x14080  }
0x6c: {  	[tilespmem:s19], [sflag:$0x2] =	stream.indirect.gather [hbm4b:s4+s17], $0x80, s31, s17, $0xb8;
	[tilespmem:$0x1E800] =	vst v63  }
0x6d: {  	_ =	swait.ge [sflag:s20], $0x4000  }
0x6e: {  	[sflag:s20] =	ssyncset.done $0x0  }
0x6f: {  	s29 =	simm.s32 $0x15400;
	[sflag:s20] =	ssyncadd.s32 $0xFFFFC000  }
0x70: {  	[spmem:s1] =	stream.indirect.scatter.add.f32 [tilespmem:s18], [sflag:$0x3], $0x80, s29, s17, $0xb8;
	[tilespmem:$0x1E800] =	vst v63  }
0x71: {  	_ =	swait.ge [sflag:s14], $0x4000  }
0x72: {  	[sflag:s14] =	ssyncset.done $0x0  }
0x73: {  	s30 =	simm.s32 $0x14100;
	[sflag:s14] =	ssyncadd.s32 $0xFFFFC000  }
0x74: {  	[tilespmem:s18], [sflag:$0x1] =	stream.indirect.gather [hbm4b:s4+s17], $0x80, s30, s17, $0xb8;
	[tilespmem:$0x1E800] =	vst v63  }
0x75: {  	_ =	swait.ge [sflag:s21], $0x4000  }
0x76: {  	[sflag:s21] =	ssyncset.done $0x0  }
0x77: {  	s31 =	simm.s32 $0x15480;
	[sflag:s21] =	ssyncadd.s32 $0xFFFFC000  }
0x78: {  	[spmem:s1] =	stream.indirect.scatter.add.f32 [tilespmem:s19], [sflag:$0x3], $0x80, s31, s17, $0xb8;
	[tilespmem:$0x1E800] =	vst v63  }
0x79: {  	_ =	swait.ge [sflag:s14], $0x4000  }
0x7a: {  	s26 =	simm.s32 $0x100;
	s28 =	simm.s32 $0x800;
	[sflag:s14] =	ssyncset.done $0x0  }
.LBB2_4:
0x7b: {  	s29 =	sadd.s32 $0x14080, s26  }
0x7c: {  	[sflag:s14] =	ssyncadd.s32 $0xFFFFC000;
	s30 =	smov.u32 s28;
	s31 =	sadd.s32 $0x400, s28  }
0x7d: {  	[tilespmem:s19], [sflag:$0x2] =	stream.indirect.gather [hbm4b:s4+s17], $0x80, s29, s17, $0xb8;
	[tilespmem:$0x1E800] =	vst v63  }
0x7e: {  	p0 =	sne.s32 s28, $0x4800;
	_ =	swait.ge [sflag:s20], $0x4000  }
0x7f: {  	[sflag:s20] =	ssyncset.done $0x0  }
0x80: {  	s28 =	sadd.s32 $0x15400, s26;
	[sflag:s20] =	ssyncadd.s32 $0xFFFFC000  }
0x81: {  	[spmem:s1] =	stream.indirect.scatter.add.f32 [tilespmem:s18], [sflag:$0x3], $0x80, s28, s17, $0xb8;
	[tilespmem:$0x1E800] =	vst v63  }
0x82: {  	_ =	swait.ge [sflag:s14], $0x4000  }
0x83: {  	[sflag:s14] =	ssyncset.done $0x0  }
0x84: {  	s28 =	sadd.s32 $0x14100, s26;
	[sflag:s14] =	ssyncadd.s32 $0xFFFFC000  }
0x85: {  	[tilespmem:s18], [sflag:$0x1] =	stream.indirect.gather [hbm4b:s4+s17], $0x80, s28, s17, $0xb8;
	[tilespmem:$0x1E800] =	vst v63  }
0x86: {  	_ =	swait.ge [sflag:s21], $0x4000  }
.Ltmp1:
0x87: {  	[sflag:s21] =	ssyncset.done $0x0;
	(pc) =	sbr.rel @p0 .LBB2_4-.Ltmp1, $4  }
0x88: {  	s26 =	sadd.s32 $0x15480, s26;
	[sflag:s21] =	ssyncadd.s32 $0xFFFFC000  }
0x89: {  	[spmem:s1] =	stream.indirect.scatter.add.f32 [tilespmem:s19], [sflag:$0x3], $0x80, s26, s17, $0xb8;
	[tilespmem:$0x1E800] =	vst v63  }
0x8a: {  	_ =	swait.ge [sflag:s14], $0x4000  }
0x8b: {  	s28 =	smov.u32 s31;
	s26 =	sshra.s32 s30, $0x2;
	[sflag:s14] =	ssyncset.done $0x0  }
0x8c: {  	s28 =	sadd.s32 $0x14080, s26;
	[sflag:s14] =	ssyncadd.s32 $0xFFFFC000  }
0x8d: {  	[tilespmem:s19], [sflag:$0x2] =	stream.indirect.gather [hbm4b:s4+s17], $0x80, s28, s17, $0xb8;
	[tilespmem:$0x1E800] =	vst v63  }
0x8e: {  	_ =	swait.ge [sflag:s20], $0x4000  }
0x8f: {  	[sflag:s20] =	ssyncset.done $0x0  }
0x90: {  	s29 =	sadd.s32 $0x15400, s26;
	[sflag:s20] =	ssyncadd.s32 $0xFFFFC000  }
0x91: {  	[spmem:s1] =	stream.indirect.scatter.add.f32 [tilespmem:s18], [sflag:$0x3], $0x80, s29, s17, $0xb8;
	[tilespmem:$0x1E800] =	vst v63  }
0x92: {  	_ =	swait.ge [sflag:s14], $0x4000  }
0x93: {  	[sflag:s14] =	ssyncset.done $0x0  }
0x94: {  	s30 =	sadd.s32 $0x14100, s26;
	[sflag:s14] =	ssyncadd.s32 $0xFFFFC000  }
0x95: {  	[tilespmem:s18], [sflag:$0x1] =	stream.indirect.gather [hbm4b:s4+s17], $0x80, s30, s17, $0xb8;
	[tilespmem:$0x1E800] =	vst v63  }
0x96: {  	_ =	swait.ge [sflag:s21], $0x4000  }
0x97: {  	[sflag:s21] =	ssyncset.done $0x0  }
0x98: {  	s31 =	sadd.s32 $0x15480, s26;
	[sflag:s21] =	ssyncadd.s32 $0xFFFFC000  }
0x99: {  	[spmem:s1] =	stream.indirect.scatter.add.f32 [tilespmem:s19], [sflag:$0x3], $0x80, s31, s17, $0xb8;
	[tilespmem:$0x1E800] =	vst v63  }
0x9a: {  	_ =	swait.ge [sflag:s14], $0x4000  }
0x9b: {  	[sflag:s14] =	ssyncset.done $0x0  }
0x9c: {  	[sflag:s14] =	ssyncadd.s32 $0xFFFFC000  }
0x9d: {  	[tilespmem:s19], [sflag:$0x2] =	stream.indirect.gather [hbm4b:s4+s17], $0x80, s22, s17, $0xb8;
	[tilespmem:$0x1E800] =	vst v63  }
0x9e: {  	_ =	swait.ge [sflag:s20], $0x4000  }
0x9f: {  	[sflag:s20] =	ssyncset.done $0x0  }
0xa0: {  	[sflag:s20] =	ssyncadd.s32 $0xFFFFC000  }
0xa1: {  	[spmem:s1] =	stream.indirect.scatter.add.f32 [tilespmem:s18], [sflag:$0x3], $0x80, s23, s17, $0xb8;
	[tilespmem:$0x1E800] =	vst v63  }
0xa2: {  	_ =	swait.ge [sflag:s14], $0x4000  }
0xa3: {  	[sflag:s14] =	ssyncset.done $0x0  }
0xa4: {  	[sflag:s14] =	ssyncadd.s32 $0xFFFFC000  }
0xa5: {  	_ =	swait.ge [sflag:s21], $0x4000  }
0xa6: {  	[sflag:s21] =	ssyncset.done $0x0  }
0xa7: {  	[sflag:s21] =	ssyncadd.s32 $0xFFFFC000  }
0xa8: {  	[spmem:s1] =	stream.indirect.scatter.add.f32 [tilespmem:s19], [sflag:$0x3], $0x80, s24, s17, $0xb8;
	[tilespmem:$0x1E800] =	vst v63  }
0xa9: {  	_ =	swait.ge [sflag:s14], $0x4000  }
0xaa: {  	s25 =	sadd.s32 $0x1, s25;
	[sflag:s14] =	ssyncset.done $0x0  }
0xab: {  	p0 =	sne.s32 s25, s8;
	[sflag:s14] =	ssyncadd.s32 $0xFFFFC000  }
.Ltmp2:
0xac: {  	[bflag:$0x0] =	sbarrier.arrive $0xFFFF;
	(pc) =	sbr.rel @p0 .LBB2_1-.Ltmp2, $4  }
0xad: {  	[hbm:s7], [sflag:s6] =	dma.local [spmem:s13], $0x2800  }
0xae: {  	_ =	swait.ge [sflag:s14], $0x2800  }
0xaf: {  	[sflag:s14] =	ssyncset.done $0x0  }
0xb0: {  	[sflag:s14] =	ssyncadd.s32 $0xFFFFD800  }
0xb1: {  	_ =	sfence.sel $0x180000  }
0xb2: {  	[bflag:$0x0] =	sbarrier.arrive $0xFFFF  }
0xb3: {  	p0 =	sne.s32 s2, $0x0;
	_ =	strace $0x9000004D  }
0xb4: {  	s0 =	sadd.s32 @!p0 $0x100000, s0;
	[bflag:$0x2] =	sbarrier.arrive $0xFFFF  }
0xb5: {  	[sflag:s0] =	ssyncadd.tile.s32 @!p0 $0x1;
	_ =	shalt  }
.Lfunc_end2:
_tile_overlayer_lowered:
.L_overlay_start_2:
0xb6: {  	(tag) =	ssettag $0x2  }
0xb7: {  	s0 =	rddreg [dreg:$0x0];
	s2 =	stileid.u32  }
0xb8: {  	s1 =	rddreg [dreg:$0x1];
	p0 =	sne.s32 s2, $0x0  }
0xb9: {  	s3 =	rddreg [dreg:$0x2];
	[bflag:$0x3] =	sbarrier.arrive $0xFFFF;
	s2 =	simm.s32 @!p0 $0x1C03  }
0xba: {  	[timem:s3], [sflag:s2] =	dma.local @!p0 [hbm:s0], s1  }
0xbb: {  	s0 =	simm.s32 @!p0 $0x3  }
0xbc: {  	_ =	swait.ge @!p0 [sflag:s0], s1  }
0xbd: {  	s1 =	ssub.s32 @!p0 $0x0, s1;
	[sflag:s0] =	ssyncset.done @!p0 $0x0  }
0xbe: {  	[sflag:s0] =	ssyncadd.s32 @!p0 s1  }
0xbf: {  	[bflag:$0x3] =	sbarrier.arrive $0xFFFF  }
0xc0: {  	_ =	shalt  }

// kernel: kernel.8.cloned.1.call-start
scs
__scs_entry_jumppad:
0x0: {  	(pc) =	sbr.rel $0x88, $3  }
0x1: {  	(tag) =	ssettag $0x0;
	lr =	simm.s32 $0x1  }
0x2: {  	[smem:$0x3F9A] =	sst lr;
	_ =	strace $0xD0000000  }
0x3: {  	_ = 	snop  }
0x4: {  	_ = 	snop  }
0x5: {  	_ = 	snop  }
0x6: {  	_ = 	snop  }
0x7: {  	_ = 	snop  }
__scs_overlays_trampoline_lowered:
0x8: {  	[smem:$0x3FA9] =	sst s0  }
0x9: {  	[smem:$0x3FAA] =	sst s1  }
0xa: {  	[smem:$0x3FAB] =	sst s2  }
0xb: {  	[smem:$0x3FAC] =	sst s3  }
0xc: {  	[smem:$0x3FAD] =	sst s4  }
0xd: {  	[smem:$0x3FAE] =	sst s5  }
0xe: {  	[smem:$0x3FAF] =	sst s6  }
0xf: {  	[smem:$0x3FB0] =	sst s7  }
0x10: {  	[smem:$0x3FB1] =	sst s8  }
0x11: {  	[smem:$0x3FB2] =	sst s9;
	s0 =	simm.s32 @!p0 $0x0  }
0x12: {  	s1 =	sld [smem:$0x3F98];
	s0 =	simm.s32 @p0 $0x1  }
0x13: {  	[smem:$0x3FB3] =	sst s0;
	s0 =	simm.s32 @!p1 $0x0  }
0x14: {  	s2 =	sld [smem:$0x3F97];
	s0 =	simm.s32 @p1 $0x1  }
0x15: {  	[smem:$0x3FB4] =	sst s0;
	s0 =	simm.s32 @!p2 $0x0  }
0x16: {  	s3 =	sld [smem:$0x3FDB];
	s0 =	simm.s32 @p2 $0x1  }
0x17: {  	s4 =	simm.s32 $0x1BF5;
	[smem:$0x3FB6] =	sst s0  }
0x18: {  	s0 =	sld [smem:$0x3F99];
	_ =	swait.ge [sflag:s4], $0x0  }
0x19: {  	s7 =	sld [smem:$0x3F9A]  }
0x1a: {  	s8 =	sadd.s32 $0xFFFFE003, lr  }
0x1b: {  	s9 =	sadd.s32 $0xFFFFFEF7, lr;
	s5 =	simm.s32 $0xFFFFFFFF;
	p2 =	slt.u32 s8, $0xFFFFF086  }
0x1c: {  	p1 =	slt.u32 s9, $0xF7A;
	s5 =	simm.s32 @!p2 $0x0  }
0x1d: {  	s5 =	simm.s32 @p1 $0x1;
	p0 =	seq.s32 s7, s2  }
0x1e: {  	s7 =	smul.u32 @!p0 $0xF7A, s2;
	p2 =	seq.s32 @!p0 s5, $0x0  }
0x1f: {  	s9 =	smul.u32 $0xF7A, s1;
	s8 =	simm.s32 @!p0 $0x1BF5;
	p2 =	por !p2, p0  }
0x20: {  	[sflag:s8] =	ssyncset.s32 @!p0 $0xFFFFF086;
	s6 =	sadd.s32 @!p0 s3, s7;
	s7 =	simm.s32 @!p0 $0x108  }
0x21: {  	s3 =	sadd.s32 s3, s9;
	s6 =	sadd.s32 @!p0 $0x88, s6;
	s7 =	simm.s32 @p2 $0x1082  }
0x22: {  	[simem:s7], [sflag:s8] =	dma.local @!p0 [hbm:s6], $0xF7A  }
0x23: {  	s9 =	sor.u32 $0xD0000000, s2;
	s6 =	simm.s32 $0x108;
	_ =	swait.ge @!p0 [sflag:s8], $0x0  }
0x24: {  	s3 =	sadd.s32 $0x88, s3;
	s6 =	simm.s32 @!p1 $0x1082;
	[sflag:s4] =	ssyncset.s32 $0xFFFFF086  }
0x25: {  	[simem:s6], [sflag:s4] =	dma.local [hbm:s3], $0xF7A  }
0x26: {  	[smem:$0x3F9A] =	sst s1;
	(tag) =	ssettag s2;
	_ =	strace s9  }
0x27: {  	s1 =	sld [smem:$0x3FAA]  }
0x28: {  	s2 =	sld [smem:$0x3FAB]  }
0x29: {  	s4 =	sld [smem:$0x3FAD]  }
0x2a: {  	p0 =	seq.s32 s5, $0x0;
	s5 =	sld [smem:$0x3FAE]  }
0x2b: {  	s6 =	sld [smem:$0x3FAF]  }
0x2c: {  	s7 =	sld [smem:$0x3FB0]  }
0x2d: {  	s3 =	simm.s32 $0x108;
	s8 =	sld [smem:$0x3FB1]  }
0x2e: {  	s3 =	simm.s32 @!p0 $0x1082;
	s9 =	sld [smem:$0x3FB2]  }
0x2f: {  	lr =	sadd.s32 s0, s3;
	s0 =	sld [smem:$0x3FA9]  }
0x30: {  	s3 =	sld [smem:$0x3FAC]  }
0x31: {  	[smem:$0x3FB5] =	sst s10  }
0x32: {  	s10 =	sld [smem:$0x3FB3];
	_ =	sdelay $0x3  }
0x33: {  	p0 =	seq.s32 s10, $0x1;
	s10 =	sld [smem:$0x3FB5];
	_ =	sdelay $0x3  }
0x34: {  	[smem:$0x3FB5] =	sst s10  }
0x35: {  	s10 =	sld [smem:$0x3FB4];
	_ =	sdelay $0x3  }
0x36: {  	p1 =	seq.s32 s10, $0x1;
	s10 =	sld [smem:$0x3FB5];
	_ =	sdelay $0x3  }
0x37: {  	[smem:$0x3FB5] =	sst s10  }
0x38: {  	s10 =	sld [smem:$0x3FB6]  }
0x39: {  	_ = 	snop;
	(pc) =	sbr.ind lr, $3  }
0x3a: {  	_ = 	snop  }
0x3b: {  	_ = 	snop  }
0x3c: {  	p2 =	seq.s32 s10, $0x1;
	s10 =	sld [smem:$0x3FB5]  }
0x3d: {  	_ =	shalt  }
0x3e: {  	_ =	shalt  }
0x3f: {  	_ =	shalt  }
0x40: {  	_ =	shalt  }
0x41: {  	_ =	shalt  }
0x42: {  	_ =	shalt  }
0x43: {  	_ =	shalt  }
0x44: {  	_ =	shalt  }
0x45: {  	_ =	shalt  }
0x46: {  	_ =	shalt  }
0x47: {  	_ =	shalt  }
0x48: {  	_ =	shalt  }
0x49: {  	_ =	shalt  }
0x4a: {  	_ =	shalt  }
0x4b: {  	_ =	shalt  }
0x4c: {  	_ =	shalt  }
0x4d: {  	_ =	shalt  }
0x4e: {  	_ =	shalt  }
0x4f: {  	_ =	shalt  }
0x50: {  	_ =	shalt  }
0x51: {  	_ =	shalt  }
0x52: {  	_ =	shalt  }
0x53: {  	_ =	shalt  }
0x54: {  	_ =	shalt  }
0x55: {  	_ =	shalt  }
0x56: {  	_ =	shalt  }
0x57: {  	_ =	shalt  }
0x58: {  	_ =	shalt  }
0x59: {  	_ =	shalt  }
0x5a: {  	_ =	shalt  }
0x5b: {  	_ =	shalt  }
0x5c: {  	_ =	shalt  }
0x5d: {  	_ =	shalt  }
0x5e: {  	_ =	shalt  }
0x5f: {  	_ =	shalt  }
0x60: {  	_ =	shalt  }
0x61: {  	_ =	shalt  }
0x62: {  	_ =	shalt  }
0x63: {  	_ =	shalt  }
0x64: {  	_ =	shalt  }
0x65: {  	_ =	shalt  }
0x66: {  	_ =	shalt  }
0x67: {  	_ =	shalt  }
0x68: {  	_ =	shalt  }
0x69: {  	_ =	shalt  }
0x6a: {  	_ =	shalt  }
0x6b: {  	_ =	shalt  }
0x6c: {  	_ =	shalt  }
0x6d: {  	_ =	shalt  }
0x6e: {  	_ =	shalt  }
0x6f: {  	_ =	shalt  }
0x70: {  	_ =	shalt  }
0x71: {  	_ =	shalt  }
0x72: {  	_ =	shalt  }
0x73: {  	_ =	shalt  }
0x74: {  	_ =	shalt  }
0x75: {  	_ =	shalt  }
0x76: {  	_ =	shalt  }
0x77: {  	_ =	shalt  }
0x78: {  	_ =	shalt  }
0x79: {  	_ =	shalt  }
0x7a: {  	_ =	shalt  }
0x7b: {  	_ =	shalt  }
0x7c: {  	_ =	shalt  }
0x7d: {  	_ =	shalt  }
0x7e: {  	_ =	shalt  }
0x7f: {  	_ =	shalt  }
0x80: {  	_ =	shalt  }
0x81: {  	_ =	shalt  }
0x82: {  	_ =	shalt  }
0x83: {  	_ =	shalt  }
0x84: {  	_ =	shalt  }
0x85: {  	_ =	shalt  }
0x86: {  	_ =	shalt  }
0x87: {  	_ =	shalt  }
.Lfunc_end0:
.L_simem_size_0:
called_computation_lowered:
.L_overlay_start_0:
0x88: {  	s2 =	sld [smem:$0x3FD9]  }
0x89: {  	s3 =	sld [smem:$0x3FFE];
	_ =	sdelay $0x1  }
0x8a: {  	s1 =	srdreg.scid  }
0x8b: {  	s0 =	sand.u32 $0x1, s1  }
0x8c: {  	s16 =	sshll.u32 s0, $0xA;
	s2 =	sadd.s32 s3, s2  }
0x8d: {  	s2 =	sadd.s32 s2, s16  }
0x8e: {  	[smem:$0x3FC1] =	sst s2  }
0x8f: {  	_ = 	snop  }
0x90: {  	(tm) =	ssettm $0x1  }
0x91: {  	s17 =	sld [smem:$0x3FFB];
	_ =	sdelay $0x3  }
0x92: {  	_ =	strace s17  }
0x93: {  	s2 =	sld [smem:$0x3FFC];
	_ =	sdelay $0x3  }
0x94: {  	_ =	strace s2  }
0x95: {  	s2 =	sld [smem:$0x3FFD];
	_ =	sdelay $0x3  }
0x96: {  	_ =	strace s2  }
0x97: {  	_ =	strace $0x8FFFFFFF  }
0x98: {  	s18 =	sld [smem:$0x3FDB];
	_ =	sdelay $0x1  }
0x99: {  	s19 =	simm.s32 $_scs_section_size  }
0x9a: {  	s4 =	simm.s32 $_size__tile_overlayer_lowered;
	s5 =	simm.s32 $_tile_overlayer_lowered  }
0x9b: {  	s22 =	simm.s32 $0x1BFF;
	s21 =	sshll.u32 s5, $0x1;
	s2 =	sadd.s32 s19, s18  }
0x9c: {  	s6 =	simm.s32 $0x0;
	s20 =	sshll.u32 s4, $0x1;
	s4 =	sadd.s32 s21, s2  }
0x9d: {  	[timem:s6], [sflag:s22] =	dma.local [hbm:s4], s20  }
0x9e: {  	_ =	swait.ge [sflag:s22], s20  }
0x9f: {  	s3 =	ssub.s32 $0x0, s20;
	[sflag:s22] =	ssyncset.done $0x0  }
0xa0: {  	[sflag:s22] =	ssyncadd.s32 s3;
	_ =	sdelay $0x1  }
0xa1: {  	s23 =	simm.s32 $0x1B8B  }
0xa2: {  	_ =	swait.ge [sflag:s23], $0x1  }
0xa3: {  	[sflag:s23] =	ssyncset.done $0x0  }
0xa4: {  	s25 =	simm.s32 $0x1B8E;
	s24 =	sld [smem:$0x3FFE];
	[sflag:s23] =	ssyncadd.s32 $0xFFFFFFFF  }
0xa5: {  	s26 =	simm.s32 $execute0_lowered;
	[smem:$0x3FD2] =	sst s25  }
0xa6: {  	s4 =	sshll.u32 s26, $0x1;
	_ =	strace $0x80000046;
	[dreg:$0x1] =	wrdreg $0xFFFFFFFF  }
0xa7: {  	s28 =	simm.s32 $_size_execute0_lowered;
	s2 =	sadd.s32 s2, s4;
	[dreg:$0x0] =	wrdreg $0x0  }
0xa8: {  	s4 =	sshll.u32 s28, $0x1;
	[dreg:$0x2] =	wrdreg s2  }
0xa9: {  	[dreg:$0x3] =	wrdreg s4  }
0xaa: {  	[dreg:$0x4] =	wrdreg $0xC0  }
0xab: {  	_ =	task [dreg:s6], $0x5FFFF  }
0xac: {  	[dreg:$0x1] =	wrdreg $0xFFFFFFFF  }
0xad: {  	[dreg:$0x0] =	wrdreg $0x60  }
0xae: {  	[dreg:$0x2] =	wrdreg s24  }
0xaf: {  	[dreg:$0x3] =	wrdreg $0x0  }
0xb0: {  	[dreg:$0x4] =	wrdreg $0x9  }
0xb1: {  	_ =	task.clear_ibuf [dreg:s6], $0x5FFFF;
	_ =	strace $0x90000046  }
0xb2: {  	s29 =	simm.s32 $0x9;
	_ =	strace $0x80000048  }
0xb3: {  	_ =	swait.ge [sflag:s29], $0x1  }
0xb4: {  	[sflag:s29] =	ssyncadd.s32 $0xFFFFFFFF  }
0xb5: {  	_ =	strace $0x90000048  }
0xb6: {  	_ =	sfence  }
0xb7: {  	s30 =	sld [smem:$0x0];
	_ =	sdelay $0x2  }
0xb8: {  	s31 =	sshll.u32 s1, $0xD;
	s1 =	sshrl.u32 s1, $0x2  }
0xb9: {  	s3 =	sand.u32 $0x4000, s31;
	s1 =	sadd.s32 s1, s30  }
0xba: {  	s0 =	sor.u32 s3, s0;
	s1 =	sshll.u32 s1, $0x11  }
0xbb: {  	s0 =	sor.u32 s1, s0  }
0xbc: {  	s0 =	sadd.s32 $0x8F2B, s0  }
0xbd: {  	[sflag:s0] =	ssyncadd.remote.s32 $0x1  }
0xbe: {  	_ =	sfence.sel $0xFFFF  }
0xbf: {  	[dreg:$0x0] =	wrdreg $0xFFFFFFFF;
	(pc) =	sbr.abs _section_cstart, $3  }
0xc0: {  	[dreg:$0x1] =	wrdreg $0xFFFFFFFF  }
0xc1: {  	_ =	task.clear_ibuf [dreg:s6], $0x2FFFF;
	_ =	strace $0x9FFFFFFF  }
0xc2: {  	(tm) =	ssettm $0x7FFFFFFF  }
0xc3: {  	_ =	shalt  }
tec
execute0_lowered:
.L_overlay_start_1:
0x0: {  	(tag) =	ssettag $0x1  }
0x1: {  	s4 =	rddreg [dreg:$0x0]  }
0x2: {  	s0 =	srdreg.scid;
	s2 =	rddreg [dreg:$0x1]  }
0x3: {  	s1 =	rddreg [dreg:$0x2];
	s3 =	simm.s32 $0x0;
	s10 =	simm.s32 $0x280  }
0x4: {  	s11 =	simm.s32 $0x80;
	s12 =	simm.s32 $0x5280;
	s5 =	sand.u32 $0x1, s0  }
0x5: {  	s15 =	simm.s32 $0x20;
	s0 =	stileid.u32;
	s6 =	smul.u32 $0x50000, s5  }
0x6: {  	s16 =	simm.s32 $0x10;
	[smem:$0x7FF] =	sst s3;
	s7 =	smul.u32 $0x5000, s0  }
0x7: {  	s17 =	simm.s32 $0x0;
	s29 =	smul.u32 $0x500, s0;
	_ =	strace $0x80000047  }
0x8: {  	s8 =	sshll.u32 s5, $0x7;
	s5 =	ssub.s32 $0x2, s5;
	s13 =	sshll.u32 s0, $0x6  }
0x9: {  	s30 =	smul.u32 $0xA00, s0;
	s9 =	sshrl.u32 s5, $0x1;
	s13 =	sor.u32 $0x1C01, s13  }
0xa: {  	s6 =	sadd.s32 s7, s6;
	s7 =	sor.u32 s8, s29;
	s9 =	ssub.s32 s5, s9  }
0xb: {  	s31 =	sshrl.u32 s30, $0x2;
	s6 =	sshrl.u32 s6, $0x3;
	s7 =	sshrl.u32 s7, $0x3  }
0xc: {  	s8 =	simm.s32 $0x5300;
	s6 =	sadd.s32 s6, s4;
	s7 =	sadd.s32 s7, s4  }
0xd: {  	s4 =	sadd.s32 s31, s2;
	s5 =	sadd.s32 $0x15E00, s6;
	s6 =	sadd.s32 $0x29E00, s7  }
0xe: {  	v0 =	vimm.f32 $1.000000000e+00;
	v1 =	vimm.f32 $0.0e+00;
	s7 =	smax.u32 s9, $0x1;
	s9 =	simm.s32 $0x1;
	s14 =	sshrl.u32 s4, $0x3  }
.LBB2_1:
0xf: {  	[tilespmem:$0x5280] =	vst v0  }
0x10: {  	[tilespmem:$0x5290] =	vst v0  }
0x11: {  	[tilespmem:$0x52A0] =	vst v0  }
0x12: {  	[tilespmem:$0x52B0] =	vst v0  }
0x13: {  	[tilespmem:$0x52C0] =	vst v0  }
0x14: {  	[tilespmem:$0x52D0] =	vst v0  }
0x15: {  	[tilespmem:$0x52E0] =	vst v0  }
0x16: {  	[tilespmem:$0x52F0] =	vst v0  }
0x17: {  	[tilespmem:$0x5300] =	vst v1  }
0x18: {  	[tilespmem:$0x5310] =	vst v1  }
0x19: {  	[tilespmem:$0x5320] =	vst v1  }
0x1a: {  	[tilespmem:$0x5330] =	vst v1  }
0x1b: {  	[tilespmem:$0x5340] =	vst v1  }
0x1c: {  	[tilespmem:$0x5350] =	vst v1  }
0x1d: {  	[tilespmem:$0x5360] =	vst v1  }
0x1e: {  	[tilespmem:$0x5370] =	vst v1  }
0x1f: {  	[tilespmem:$0x5380] =	vst v1  }
0x20: {  	[tilespmem:$0x5390] =	vst v1  }
0x21: {  	[tilespmem:$0x53A0] =	vst v1  }
0x22: {  	[tilespmem:$0x53B0] =	vst v1  }
0x23: {  	[tilespmem:$0x53C0] =	vst v1  }
0x24: {  	[tilespmem:$0x53D0] =	vst v1  }
0x25: {  	[tilespmem:$0x53E0] =	vst v1  }
0x26: {  	[tilespmem:$0x53F0] =	vst v1  }
0x27: {  	[tilespmem:$0x5400] =	vst v1  }
0x28: {  	[tilespmem:$0x5410] =	vst v1  }
0x29: {  	[tilespmem:$0x5420] =	vst v1  }
0x2a: {  	[tilespmem:$0x5430] =	vst v1  }
0x2b: {  	[tilespmem:$0x5440] =	vst v1  }
0x2c: {  	[tilespmem:$0x5450] =	vst v1  }
0x2d: {  	[tilespmem:$0x5460] =	vst v1  }
0x2e: {  	[tilespmem:$0x5470] =	vst v1  }
0x2f: {  	[tilespmem:$0x5480] =	vst v1  }
0x30: {  	[tilespmem:$0x5490] =	vst v1  }
0x31: {  	[tilespmem:$0x54A0] =	vst v1  }
0x32: {  	[tilespmem:$0x54B0] =	vst v1  }
0x33: {  	[tilespmem:$0x54C0] =	vst v1  }
0x34: {  	[tilespmem:$0x54D0] =	vst v1  }
0x35: {  	[tilespmem:$0x54E0] =	vst v1  }
0x36: {  	[tilespmem:$0x54F0] =	vst v1  }
0x37: {  	[tilespmem:$0x5500] =	vst v1  }
0x38: {  	[tilespmem:$0x5510] =	vst v1  }
0x39: {  	[tilespmem:$0x5520] =	vst v1  }
0x3a: {  	[tilespmem:$0x5530] =	vst v1  }
0x3b: {  	[tilespmem:$0x5540] =	vst v1  }
0x3c: {  	[tilespmem:$0x5550] =	vst v1  }
0x3d: {  	[tilespmem:$0x5560] =	vst v1  }
0x3e: {  	[tilespmem:$0x5570] =	vst v1  }
0x3f: {  	[spmem:s4] =	stream.linear.scatter [tilespmem:s8], [sflag:$0x1], $0x280, $0x38;
	[tilespmem:$0x5580] =	vst v63  }
0x40: {  	_ =	swait.ge [sflag:s9], $0x280  }
0x41: {  	[sflag:s9] =	ssyncset.done $0x0  }
0x42: {  	[sflag:s9] =	ssyncadd.s32 $0xFFFFFD80  }
0x43: {  	[tilespmem:s10], [sflag:$0x1] =	stream.linear.gather [hbm4b:s5+s3], $0x5000, $0x38;
	[tilespmem:$0x5580] =	vst v63  }
0x44: {  	_ =	swait.ge [sflag:s9], $0x5000  }
0x45: {  	[sflag:s9] =	ssyncset.done $0x0  }
0x46: {  	[sflag:s9] =	ssyncadd.s32 $0xFFFFB000  }
0x47: {  	s18 =	simm.s32 $0x280;
	[bflag:$0x0] =	sbarrier.arrive $0xFFFF  }
0x48: {  	[spmem:s2] =	stream.indirect.scatter.add.f32 [tilespmem:s12], [sflag:$0x1], $0x1, s18, s11, $0xb8;
	[tilespmem:$0x5580] =	vst v63  }
0x49: {  	s18 =	simm.s32 $0x200;
	_ =	swait.ge [sflag:s9], $0x80  }
.LBB2_2:
0x4a: {  	s19 =	sshra.s32 s18, $0x2;
	[sflag:s9] =	ssyncset.done $0x0;
	p0 =	sne.s32 s18, $0x13E00  }
.Ltmp0:
0x4b: {  	s19 =	sadd.s32 $0x280, s19;
	[sflag:s9] =	ssyncadd.s32 $0xFFFFFF80;
	(pc) =	sbr.rel @p0 .LBB2_2-.Ltmp0, $3  }
0x4c: {  	[spmem:s2] =	stream.indirect.scatter.add.f32 [tilespmem:s12], [sflag:$0x1], $0x1, s19, s11, $0xb8;
	[tilespmem:$0x5580] =	vst v63  }
0x4d: {  	s18 =	sadd.s32 $0x200, s18;
	_ =	sdelay $0x1  }
0x4e: {  	_ =	swait.ge [sflag:s9], $0x80  }
0x4f: {  	[sflag:s9] =	ssyncset.done $0x0;
	s17 =	sadd.s32 $0x1, s17  }
0x50: {  	[sflag:s9] =	ssyncadd.s32 $0xFFFFFF80;
	p0 =	sne.s32 s17, s7  }
.Ltmp1:
0x51: {  	[bflag:$0x0] =	sbarrier.arrive $0xFFFF;
	(pc) =	sbr.rel @p0 .LBB2_1-.Ltmp1, $4  }
0x52: {  	[hbm:s6@s15], [sflag:s13] =	dma.strided [spmem:s14@s16], $0x50, s9, $0x10   }
0x53: {  	_ =	swait.ge [sflag:s9], $0x50  }
0x54: {  	[sflag:s9] =	ssyncset.done $0x0  }
0x55: {  	[sflag:s9] =	ssyncadd.s32 $0xFFFFFFB0  }
0x56: {  	_ =	sfence.sel $0x180000  }
0x57: {  	[bflag:$0x0] =	sbarrier.arrive $0xFFFF  }
0x58: {  	p0 =	sne.s32 s0, $0x0;
	_ =	strace $0x90000047  }
0x59: {  	s0 =	sadd.s32 @!p0 $0x100000, s1;
	[bflag:$0x2] =	sbarrier.arrive $0xFFFF  }
0x5a: {  	[sflag:s0] =	ssyncadd.tile.s32 @!p0 $0x1;
	_ =	shalt  }
.Lfunc_end2:
_tile_overlayer_lowered:
.L_overlay_start_2:
0x5b: {  	(tag) =	ssettag $0x2  }
0x5c: {  	s0 =	rddreg [dreg:$0x0];
	s2 =	stileid.u32  }
0x5d: {  	s1 =	rddreg [dreg:$0x1];
	p0 =	sne.s32 s2, $0x0  }
0x5e: {  	s3 =	rddreg [dreg:$0x2];
	[bflag:$0x3] =	sbarrier.arrive $0xFFFF;
	s2 =	simm.s32 @!p0 $0x1C01  }
0x5f: {  	[timem:s3], [sflag:s2] =	dma.local @!p0 [hbm:s0], s1  }
0x60: {  	s0 =	simm.s32 @!p0 $0x1  }
0x61: {  	_ =	swait.ge @!p0 [sflag:s0], s1  }
0x62: {  	s1 =	ssub.s32 @!p0 $0x0, s1;
	[sflag:s0] =	ssyncset.done @!p0 $0x0  }
0x63: {  	[sflag:s0] =	ssyncadd.s32 @!p0 s1  }
0x64: {  	[bflag:$0x3] =	sbarrier.arrive $0xFFFF  }
0x65: {  	_ =	shalt  }

</sc_bundles>
